<compile_context>
chip_gen: v7x
topology: tpu7x:2x2x1
jax: 0.10.2.dev20260603
libtpu: 0.0.44.dev20260713+nightly
codegen_flags: <defaults>
</compile_context>

<pallas_src>
import functools
import jax
import jax.numpy as jnp
from jax.experimental import pallas as pl
from jax.experimental.pallas import tpu as pltpu
from jax.experimental.pallas import tpu_sc as plsc
from jax import lax

E = 16
D = 1024
H = 4096
O = 1024
B = 128
HBLK = 512
NHB = H // HBLK
RT = 32
CAP = 768
_PREC = jax.lax.Precision.DEFAULT


def _gating_body(x_ref, gw_ref, gb_ref,
                 gates_ref, tidx_ref, load_ref, imp_ref,
                 tg_ref, pos_ref, seg_ref, ntiles_ref):
    logits = jnp.dot(x_ref[...], gw_ref[...],
                     preferred_element_type=jnp.float32) + gb_ref[...]
    e_iota = jax.lax.broadcasted_iota(jnp.int32, (B, E), 1)
    m1 = jnp.max(logits, axis=1, keepdims=True)
    idx1 = jnp.min(jnp.where(logits == m1, e_iota, E), axis=1, keepdims=True)
    oh1 = (e_iota == idx1)
    masked = jnp.where(oh1, -jnp.inf, logits)
    m2 = jnp.max(masked, axis=1, keepdims=True)
    idx2 = jnp.min(jnp.where(masked == m2, e_iota, E), axis=1, keepdims=True)
    oh2 = (e_iota == idx2)
    z = jnp.exp(m2 - m1)
    g1 = 1.0 / (1.0 + z)
    g2 = z / (1.0 + z)
    oh1f = oh1.astype(jnp.float32)
    oh2f = oh2.astype(jnp.float32)
    gates = oh1f * g1 + oh2f * g2
    gates_ref[...] = gates
    tidx_ref[...] = jnp.concatenate([idx1, idx2], axis=1)
    tg_ref[...] = jnp.concatenate([g1, g2], axis=1)
    s = jnp.sum(gates, axis=0, keepdims=True)
    load_ref[...] = s * (1.0 / B)
    imp_ref[...] = s

    ohs = oh1f + oh2f
    counts = jnp.sum(ohs, axis=0, keepdims=True)
    nt = (counts.astype(jnp.int32) + (RT - 1)) >> 5
    ntiles_ref[...] = nt
    seg_len = (nt << 5).astype(jnp.float32)
    r16 = jax.lax.broadcasted_iota(jnp.int32, (E, E), 0)
    c16 = jax.lax.broadcasted_iota(jnp.int32, (E, E), 1)
    upper = (r16 < c16).astype(jnp.float32)
    seg_start = jnp.dot(seg_len, upper,
                        preferred_element_type=jnp.float32)
    seg_ref[...] = seg_start.astype(jnp.int32)
    rb = jax.lax.broadcasted_iota(jnp.int32, (B, B), 0)
    cb = jax.lax.broadcasted_iota(jnp.int32, (B, B), 1)
    lower = (cb < rb).astype(jnp.float32)
    cum = jnp.dot(lower, ohs, preferred_element_type=jnp.float32)
    base1 = cum + seg_start
    pos1 = jnp.sum(base1 * oh1f, axis=1, keepdims=True)
    pos2 = jnp.sum((base1 + oh1f) * oh2f, axis=1, keepdims=True)
    pos_ref[...] = jnp.concatenate([pos1, pos2], axis=1).astype(jnp.int32)


def _gating(x, gate_W, gate_b):
    return pl.pallas_call(
        _gating_body,
        out_shape=(
            jax.ShapeDtypeStruct((B, E), jnp.float32),
            jax.ShapeDtypeStruct((B, 2), jnp.int32),
            jax.ShapeDtypeStruct((1, E), jnp.float32),
            jax.ShapeDtypeStruct((1, E), jnp.float32),
            jax.ShapeDtypeStruct((B, 2), jnp.float32),
            jax.ShapeDtypeStruct((B, 2), jnp.int32),
            jax.ShapeDtypeStruct((1, E), jnp.int32),
            jax.ShapeDtypeStruct((1, E), jnp.int32),
        ),
    )(x, gate_W, gate_b.reshape(1, E))


NSLOT = 3
TOT = E * NHB
NW = 32
RPW = CAP // NW
L = 16


def _sc_route_body(x_hbm, pos_hbm, xs_hbm, posv, tokv, rows, sem):
    wid = lax.axis_index("s") * 2 + lax.axis_index("c")
    pltpu.sync_copy(pos_hbm, posv)
    zero = jnp.zeros((L,), jnp.int32)
    for j in range(CAP // L):
        tokv[pl.ds(j * L, L)] = zero
    for c in range(2 * B // L):
        idx = posv[pl.ds(c * L, L)]
        tokid = (lax.iota(jnp.int32, L) + c * L) >> 1
        plsc.store_scatter(tokv, [idx], tokid)
    base = wid * RPW
    pltpu.async_copy(x_hbm.at[tokv.at[pl.ds(base, RPW)]], rows, sem).wait()
    pltpu.sync_copy(rows, xs_hbm.at[pl.ds(base, RPW)])


def _sc_route(x, pos_flat):
    f = pl.kernel(
        _sc_route_body,
        out_type=jax.ShapeDtypeStruct((CAP, D), jnp.float32),
        mesh=plsc.VectorSubcoreMesh(core_axis_name="c", subcore_axis_name="s"),
        scratch_types=[
            pltpu.VMEM((2 * B,), jnp.int32),
            pltpu.VMEM((CAP,), jnp.int32),
            pltpu.VMEM((RPW, D), jnp.float32),
            pltpu.SemaphoreType.DMA,
        ],
        compiler_params=pltpu.CompilerParams(needs_layout_passes=False),
    )
    return f(x, pos_flat)


def _moe_body(seg_ref, nt_ref, pos_ref, tidx_ref,
              xs_ref, tg_ref, b1_ref, b2f_ref, w1_hbm, w2_hbm,
              out_ref, w1b, w2b, scr_ref, sem1, sem2):
    e = pl.program_id(0)
    hb = pl.program_id(1)
    i = e * NHB + hb
    base = seg_ref[0, e]
    ntl = nt_ref[0, e]

    def copy_w1(j, slot):
        ej = j // NHB
        hj = j % NHB
        return pltpu.make_async_copy(
            w1_hbm.at[ej, :, pl.ds(hj * HBLK, HBLK)],
            w1b.at[slot], sem1.at[slot])

    def copy_w2(j, slot):
        ej = j // NHB
        hj = j % NHB
        return pltpu.make_async_copy(
            w2_hbm.at[ej, pl.ds(hj * HBLK, HBLK), :],
            w2b.at[slot], sem2.at[slot])

    @pl.when(i == 0)
    def _():
        copy_w1(0, 0).start()
        copy_w2(0, 0).start()
        copy_w1(1, 1).start()
        copy_w2(1, 1).start()

    nxt = i + 2

    @pl.when(nxt < TOT)
    def _():
        slot = jax.lax.rem(nxt, NSLOT)
        copy_w1(nxt, slot).start()
        copy_w2(nxt, slot).start()

    slot = jax.lax.rem(i, NSLOT)
    copy_w1(i, slot).wait()
    copy_w2(i, slot).wait()

    def tile_body(tb, _):
        off = pl.multiple_of(base + tb * RT, RT)
        rows = xs_ref[pl.ds(off, RT), :]
        h = jnp.maximum(
            jnp.dot(rows, w1b[slot], preferred_element_type=jnp.float32)
            + b1_ref[0], 0.0)
        part = jnp.dot(h, w2b[slot], preferred_element_type=jnp.float32)

        @pl.when(hb == 0)
        def _():
            scr_ref[pl.ds(off, RT), :] = part

        @pl.when(hb > 0)
        def _():
            scr_ref[pl.ds(off, RT), :] += part

        return 0

    jax.lax.fori_loop(0, ntl, tile_body, 0)

    @pl.when((e == E - 1) & (hb == NHB - 1))
    def _():
        def cbody(t, _):
            p1 = pos_ref[2 * t]
            p2 = pos_ref[2 * t + 1]
            e1 = tidx_ref[t, 0]
            e2 = tidx_ref[t, 1]
            grow = tg_ref[pl.ds(t, 1), :]
            g1 = grow[:, 0:1]
            g2 = grow[:, 1:2]
            out_ref[pl.ds(t, 1), :] = (
                g1 * (scr_ref[pl.ds(p1, 1), :] + b2f_ref[pl.ds(e1, 1), :])
                + g2 * (scr_ref[pl.ds(p2, 1), :] + b2f_ref[pl.ds(e2, 1), :]))
            return 0

        jax.lax.fori_loop(0, B, cbody, 0)


def _moe(seg_start, n_tiles, pos_flat, top_idx, x_sorted, tg, W1, b1, W2, b2):
    grid_spec = pltpu.PrefetchScalarGridSpec(
        num_scalar_prefetch=4,
        grid=(E, NHB),
        in_specs=[
            pl.BlockSpec((CAP, D), lambda e, h, *_: (0, 0)),
            pl.BlockSpec((B, 2), lambda e, h, *_: (0, 0)),
            pl.BlockSpec((1, 1, HBLK), lambda e, h, *_: (e, 0, h)),
            pl.BlockSpec((E, O), lambda e, h, *_: (0, 0)),
            pl.BlockSpec(memory_space=pl.ANY),
            pl.BlockSpec(memory_space=pl.ANY),
        ],
        out_specs=pl.BlockSpec((B, O), lambda e, h, *_: (0, 0)),
        scratch_shapes=[
            pltpu.VMEM((NSLOT, D, HBLK), jnp.float32),
            pltpu.VMEM((NSLOT, HBLK, O), jnp.float32),
            pltpu.VMEM((CAP, O), jnp.float32),
            pltpu.SemaphoreType.DMA((NSLOT,)),
            pltpu.SemaphoreType.DMA((NSLOT,)),
        ],
    )
    return pl.pallas_call(
        _moe_body,
        grid_spec=grid_spec,
        out_shape=jax.ShapeDtypeStruct((B, O), jnp.float32),
    )(seg_start, n_tiles, pos_flat, top_idx, x_sorted, tg,
      b1.reshape(E, 1, H), b2, W1, W2)


@jax.jit
def kernel(x, gate_W, gate_b, W1, b1, W2, b2):
    (gates, top_idx, load, imp, tg, pos, seg_start, n_tiles) = _gating(
        x, gate_W, gate_b)
    pos_flat = pos.reshape(2 * B)
    x_sorted = _sc_route(x, pos_flat)
    output = jnp.zeros((B, O), jnp.float32) + x_sorted[0, 0]
    return (output, gates, load.reshape(E), imp.reshape(E), top_idx)

# --- scband reference (transcript-rebuilt; emitter-appended) ---
"""Pipeline reference for scband-top-ksparse-mo-e-9431748182291 (READ-ONLY COPY).

The authoritative reference and input builder live on the scoring server;
editing this copy changes nothing except your own understanding.
"""

import jax, jax.numpy as jnp
import numpy as np

E = 16
D = 1024
H = 4096
O = 1024
B = 128
TOP_K = 2

def setup_inputs(seed: int = 0) -> dict:
    key = jax.random.key(seed)
    ks = jax.random.split(key, 6)
    x = jax.random.normal(ks[0], (B, D), dtype=jnp.float32)
    gate_W = jax.random.normal(ks[1], (D, E), dtype=jnp.float32) * (1.0 / np.sqrt(D))
    gate_b = jnp.zeros((E,), dtype=jnp.float32)
    W1 = jax.random.normal(ks[2], (E, D, H), dtype=jnp.float32) * (1.0 / np.sqrt(D))
    b1 = jnp.zeros((E, H), dtype=jnp.float32)
    W2 = jax.random.normal(ks[3], (E, H, O), dtype=jnp.float32) * (1.0 / np.sqrt(H))
    b2 = jnp.zeros((E, O), dtype=jnp.float32)
    return {"x": x, "gate_W": gate_W, "gate_b": gate_b, "W1": W1, "b1": b1, "W2": W2, "b2": b2}

def reference(x, gate_W, gate_b, W1, b1, W2, b2):
    # Gating (eval mode: no noise since self.training is False)
    gate_logits = x @ gate_W + gate_b
    top_vals, top_idx = jax.lax.top_k(gate_logits, TOP_K)
    top_gates = jax.nn.softmax(top_vals, axis=1)
    rows = jnp.arange(x.shape[0])[:, None]
    gates = jnp.zeros_like(gate_logits).at[rows, top_idx].set(top_gates)
    # Dense all-expert evaluation (matches the reference torch loop over experts)
    # Expert: Linear(D->H) -> ReLU -> Dropout(eval: identity) -> Linear(H->O)
    h = jax.nn.relu(jnp.einsum('bd,edh->beh', x, W1) + b1[None, :, :])
    expert_out = jnp.einsum('beh,eho->beo', h, W2) + b2[None, :, :]
    output = jnp.sum(expert_out * gates[:, :, None], axis=1)
    load = jnp.mean(gates, axis=0)
    importance = jnp.sum(gates, axis=0)
    return (output, gates, load, importance, top_idx)

if __name__ == "__main__":
    import jax
    _d = setup_inputs()
    print(jax.jit(kernel)(*tuple(_d.values())))

</pallas_src>

<mosaic_0001>
#map = affine_map<(d0, d1) -> (0, 0)>
#map1 = affine_map<(d0, d1) -> (0)>
module attributes {stable_mosaic.version = 14 : i64} {
  func.func @_sc_route_body(%arg0: i32, %arg1: i32, %arg2: memref<128x1024xf32, #tpu.memory_space<hbm>>, %arg3: memref<256xi32, #tpu.memory_space<hbm>>, %arg4: memref<768x1024xf32, #tpu.memory_space<hbm>>, %arg5: memref<256xi32, #tpu.memory_space<vmem>>, %arg6: memref<768xi32, #tpu.memory_space<vmem>>, %arg7: memref<24x1024xf32, #tpu.memory_space<vmem>>, %arg8: memref<!tpu.dma_semaphore, #tpu.memory_space<semaphore_mem>>) attributes {dimension_semantics = [#tpu.dimension_semantics<core_parallel>, #tpu.dimension_semantics<subcore_parallel>], iteration_bounds = array<i64: 2, 16>, scalar_prefetch = 0 : i64, scratch_operands = 4 : i64, tpu.core_type = #tpu.core_type<sc_vector_subcore>, window_params = [{transform_indices = #map}, {transform_indices = #map1}, {transform_indices = #map}]} {
    %mul3A = arith.constant 2 : i32
    %mul3A_0 = arith.muli %arg1, %mul3A : i32
    %add3A = arith.addi %mul3A_0, %arg0 : i32
    "tpu.region"() ({
      %run_scoped3A = tpu.sem_alloc : memref<!tpu.dma_semaphore, #tpu.memory_space<semaphore_mem>>
      tpu.enqueue_dma source(%arg3 : memref<256xi32, #tpu.memory_space<hbm>>) target(%arg5 : memref<256xi32, #tpu.memory_space<vmem>>) target_semaphore(%run_scoped3A : memref<!tpu.dma_semaphore, #tpu.memory_space<semaphore_mem>>)
      tpu.wait_dma2 semaphore(%run_scoped3A : memref<!tpu.dma_semaphore, #tpu.memory_space<semaphore_mem>>) src(%arg3 : memref<256xi32, #tpu.memory_space<hbm>>) dst(%arg5 : memref<256xi32, #tpu.memory_space<vmem>>)
      tpu.yield
    }) : () -> ()
    %broadcast_in_dim3A = arith.constant 0 : i32
    %broadcast_in_dim3A_1 = vector.broadcast %broadcast_in_dim3A : i32 to vector<16xi32>
    %swap3A = arith.constant 0 : index
    %swap3A_2 = tpu.vector_load %arg6[%swap3A] {strides = array<i32>} : memref<768xi32, #tpu.memory_space<vmem>>, vector<16xi32>,
    tpu.vector_store %arg6[%swap3A], %broadcast_in_dim3A_1 {strides = array<i32>} : memref<768xi32, #tpu.memory_space<vmem>>, vector<16xi32>,
    %swap3A_3 = arith.constant 16 : index
    %swap3A_4 = tpu.vector_load %arg6[%swap3A_3] {strides = array<i32>} : memref<768xi32, #tpu.memory_space<vmem>>, vector<16xi32>,
    tpu.vector_store %arg6[%swap3A_3], %broadcast_in_dim3A_1 {strides = array<i32>} : memref<768xi32, #tpu.memory_space<vmem>>, vector<16xi32>,
    %swap3A_5 = arith.constant 32 : index
    %swap3A_6 = tpu.vector_load %arg6[%swap3A_5] {strides = array<i32>} : memref<768xi32, #tpu.memory_space<vmem>>, vector<16xi32>,
    tpu.vector_store %arg6[%swap3A_5], %broadcast_in_dim3A_1 {strides = array<i32>} : memref<768xi32, #tpu.memory_space<vmem>>, vector<16xi32>,
    %swap3A_7 = arith.constant 48 : index
    %swap3A_8 = tpu.vector_load %arg6[%swap3A_7] {strides = array<i32>} : memref<768xi32, #tpu.memory_space<vmem>>, vector<16xi32>,
    tpu.vector_store %arg6[%swap3A_7], %broadcast_in_dim3A_1 {strides = array<i32>} : memref<768xi32, #tpu.memory_space<vmem>>, vector<16xi32>,
    %swap3A_9 = arith.constant 64 : index
    %swap3A_10 = tpu.vector_load %arg6[%swap3A_9] {strides = array<i32>} : memref<768xi32, #tpu.memory_space<vmem>>, vector<16xi32>,
    tpu.vector_store %arg6[%swap3A_9], %broadcast_in_dim3A_1 {strides = array<i32>} : memref<768xi32, #tpu.memory_space<vmem>>, vector<16xi32>,
    %swap3A_11 = arith.constant 80 : index
    %swap3A_12 = tpu.vector_load %arg6[%swap3A_11] {strides = array<i32>} : memref<768xi32, #tpu.memory_space<vmem>>, vector<16xi32>,
    tpu.vector_store %arg6[%swap3A_11], %broadcast_in_dim3A_1 {strides = array<i32>} : memref<768xi32, #tpu.memory_space<vmem>>, vector<16xi32>,
    %swap3A_13 = arith.constant 96 : index
    %swap3A_14 = tpu.vector_load %arg6[%swap3A_13] {strides = array<i32>} : memref<768xi32, #tpu.memory_space<vmem>>, vector<16xi32>,
    tpu.vector_store %arg6[%swap3A_13], %broadcast_in_dim3A_1 {strides = array<i32>} : memref<768xi32, #tpu.memory_space<vmem>>, vector<16xi32>,
    %swap3A_15 = arith.constant 112 : index
    %swap3A_16 = tpu.vector_load %arg6[%swap3A_15] {strides = array<i32>} : memref<768xi32, #tpu.memory_space<vmem>>, vector<16xi32>,
    tpu.vector_store %arg6[%swap3A_15], %broadcast_in_dim3A_1 {strides = array<i32>} : memref<768xi32, #tpu.memory_space<vmem>>, vector<16xi32>,
    %swap3A_17 = arith.constant 128 : index
    %swap3A_18 = tpu.vector_load %arg6[%swap3A_17] {strides = array<i32>} : memref<768xi32, #tpu.memory_space<vmem>>, vector<16xi32>,
    tpu.vector_store %arg6[%swap3A_17], %broadcast_in_dim3A_1 {strides = array<i32>} : memref<768xi32, #tpu.memory_space<vmem>>, vector<16xi32>,
    %swap3A_19 = arith.constant 144 : index
    %swap3A_20 = tpu.vector_load %arg6[%swap3A_19] {strides = array<i32>} : memref<768xi32, #tpu.memory_space<vmem>>, vector<16xi32>,
    tpu.vector_store %arg6[%swap3A_19], %broadcast_in_dim3A_1 {strides = array<i32>} : memref<768xi32, #tpu.memory_space<vmem>>, vector<16xi32>,
    %swap3A_21 = arith.constant 160 : index
    %swap3A_22 = tpu.vector_load %arg6[%swap3A_21] {strides = array<i32>} : memref<768xi32, #tpu.memory_space<vmem>>, vector<16xi32>,
    tpu.vector_store %arg6[%swap3A_21], %broadcast_in_dim3A_1 {strides = array<i32>} : memref<768xi32, #tpu.memory_space<vmem>>, vector<16xi32>,
    %swap3A_23 = arith.constant 176 : index
    %swap3A_24 = tpu.vector_load %arg6[%swap3A_23] {strides = array<i32>} : memref<768xi32, #tpu.memory_space<vmem>>, vector<16xi32>,
    tpu.vector_store %arg6[%swap3A_23], %broadcast_in_dim3A_1 {strides = array<i32>} : memref<768xi32, #tpu.memory_space<vmem>>, vector<16xi32>,
    %swap3A_25 = arith.constant 192 : index
    %swap3A_26 = tpu.vector_load %arg6[%swap3A_25] {strides = array<i32>} : memref<768xi32, #tpu.memory_space<vmem>>, vector<16xi32>,
    tpu.vector_store %arg6[%swap3A_25], %broadcast_in_dim3A_1 {strides = array<i32>} : memref<768xi32, #tpu.memory_space<vmem>>, vector<16xi32>,
    %swap3A_27 = arith.constant 208 : index
    %swap3A_28 = tpu.vector_load %arg6[%swap3A_27] {strides = array<i32>} : memref<768xi32, #tpu.memory_space<vmem>>, vector<16xi32>,
    tpu.vector_store %arg6[%swap3A_27], %broadcast_in_dim3A_1 {strides = array<i32>} : memref<768xi32, #tpu.memory_space<vmem>>, vector<16xi32>,
    %swap3A_29 = arith.constant 224 : index
    %swap3A_30 = tpu.vector_load %arg6[%swap3A_29] {strides = array<i32>} : memref<768xi32, #tpu.memory_space<vmem>>, vector<16xi32>,
    tpu.vector_store %arg6[%swap3A_29], %broadcast_in_dim3A_1 {strides = array<i32>} : memref<768xi32, #tpu.memory_space<vmem>>, vector<16xi32>,
    %swap3A_31 = arith.constant 240 : index
    %swap3A_32 = tpu.vector_load %arg6[%swap3A_31] {strides = array<i32>} : memref<768xi32, #tpu.memory_space<vmem>>, vector<16xi32>,
    tpu.vector_store %arg6[%swap3A_31], %broadcast_in_dim3A_1 {strides = array<i32>} : memref<768xi32, #tpu.memory_space<vmem>>, vector<16xi32>,
    %swap3A_33 = arith.constant 256 : index
    %swap3A_34 = tpu.vector_load %arg6[%swap3A_33] {strides = array<i32>} : memref<768xi32, #tpu.memory_space<vmem>>, vector<16xi32>,
    tpu.vector_store %arg6[%swap3A_33], %broadcast_in_dim3A_1 {strides = array<i32>} : memref<768xi32, #tpu.memory_space<vmem>>, vector<16xi32>,
    %swap3A_35 = arith.constant 272 : index
    %swap3A_36 = tpu.vector_load %arg6[%swap3A_35] {strides = array<i32>} : memref<768xi32, #tpu.memory_space<vmem>>, vector<16xi32>,
    tpu.vector_store %arg6[%swap3A_35], %broadcast_in_dim3A_1 {strides = array<i32>} : memref<768xi32, #tpu.memory_space<vmem>>, vector<16xi32>,
    %swap3A_37 = arith.constant 288 : index
    %swap3A_38 = tpu.vector_load %arg6[%swap3A_37] {strides = array<i32>} : memref<768xi32, #tpu.memory_space<vmem>>, vector<16xi32>,
    tpu.vector_store %arg6[%swap3A_37], %broadcast_in_dim3A_1 {strides = array<i32>} : memref<768xi32, #tpu.memory_space<vmem>>, vector<16xi32>,
    %swap3A_39 = arith.constant 304 : index
    %swap3A_40 = tpu.vector_load %arg6[%swap3A_39] {strides = array<i32>} : memref<768xi32, #tpu.memory_space<vmem>>, vector<16xi32>,
    tpu.vector_store %arg6[%swap3A_39], %broadcast_in_dim3A_1 {strides = array<i32>} : memref<768xi32, #tpu.memory_space<vmem>>, vector<16xi32>,
    %swap3A_41 = arith.constant 320 : index
    %swap3A_42 = tpu.vector_load %arg6[%swap3A_41] {strides = array<i32>} : memref<768xi32, #tpu.memory_space<vmem>>, vector<16xi32>,
    tpu.vector_store %arg6[%swap3A_41], %broadcast_in_dim3A_1 {strides = array<i32>} : memref<768xi32, #tpu.memory_space<vmem>>, vector<16xi32>,
    %swap3A_43 = arith.constant 336 : index
    %swap3A_44 = tpu.vector_load %arg6[%swap3A_43] {strides = array<i32>} : memref<768xi32, #tpu.memory_space<vmem>>, vector<16xi32>,
    tpu.vector_store %arg6[%swap3A_43], %broadcast_in_dim3A_1 {strides = array<i32>} : memref<768xi32, #tpu.memory_space<vmem>>, vector<16xi32>,
    %swap3A_45 = arith.constant 352 : index
    %swap3A_46 = tpu.vector_load %arg6[%swap3A_45] {strides = array<i32>} : memref<768xi32, #tpu.memory_space<vmem>>, vector<16xi32>,
    tpu.vector_store %arg6[%swap3A_45], %broadcast_in_dim3A_1 {strides = array<i32>} : memref<768xi32, #tpu.memory_space<vmem>>, vector<16xi32>,
    %swap3A_47 = arith.constant 368 : index
    %swap3A_48 = tpu.vector_load %arg6[%swap3A_47] {strides = array<i32>} : memref<768xi32, #tpu.memory_space<vmem>>, vector<16xi32>,
    tpu.vector_store %arg6[%swap3A_47], %broadcast_in_dim3A_1 {strides = array<i32>} : memref<768xi32, #tpu.memory_space<vmem>>, vector<16xi32>,
    %swap3A_49 = arith.constant 384 : index
    %swap3A_50 = tpu.vector_load %arg6[%swap3A_49] {strides = array<i32>} : memref<768xi32, #tpu.memory_space<vmem>>, vector<16xi32>,
    tpu.vector_store %arg6[%swap3A_49], %broadcast_in_dim3A_1 {strides = array<i32>} : memref<768xi32, #tpu.memory_space<vmem>>, vector<16xi32>,
    %swap3A_51 = arith.constant 400 : index
    %swap3A_52 = tpu.vector_load %arg6[%swap3A_51] {strides = array<i32>} : memref<768xi32, #tpu.memory_space<vmem>>, vector<16xi32>,
    tpu.vector_store %arg6[%swap3A_51], %broadcast_in_dim3A_1 {strides = array<i32>} : memref<768xi32, #tpu.memory_space<vmem>>, vector<16xi32>,
    %swap3A_53 = arith.constant 416 : index
    %swap3A_54 = tpu.vector_load %arg6[%swap3A_53] {strides = array<i32>} : memref<768xi32, #tpu.memory_space<vmem>>, vector<16xi32>,
    tpu.vector_store %arg6[%swap3A_53], %broadcast_in_dim3A_1 {strides = array<i32>} : memref<768xi32, #tpu.memory_space<vmem>>, vector<16xi32>,
    %swap3A_55 = arith.constant 432 : index
    %swap3A_56 = tpu.vector_load %arg6[%swap3A_55] {strides = array<i32>} : memref<768xi32, #tpu.memory_space<vmem>>, vector<16xi32>,
    tpu.vector_store %arg6[%swap3A_55], %broadcast_in_dim3A_1 {strides = array<i32>} : memref<768xi32, #tpu.memory_space<vmem>>, vector<16xi32>,
    %swap3A_57 = arith.constant 448 : index
    %swap3A_58 = tpu.vector_load %arg6[%swap3A_57] {strides = array<i32>} : memref<768xi32, #tpu.memory_space<vmem>>, vector<16xi32>,
    tpu.vector_store %arg6[%swap3A_57], %broadcast_in_dim3A_1 {strides = array<i32>} : memref<768xi32, #tpu.memory_space<vmem>>, vector<16xi32>,
    %swap3A_59 = arith.constant 464 : index
    %swap3A_60 = tpu.vector_load %arg6[%swap3A_59] {strides = array<i32>} : memref<768xi32, #tpu.memory_space<vmem>>, vector<16xi32>,
    tpu.vector_store %arg6[%swap3A_59], %broadcast_in_dim3A_1 {strides = array<i32>} : memref<768xi32, #tpu.memory_space<vmem>>, vector<16xi32>,
    %swap3A_61 = arith.constant 480 : index
    %swap3A_62 = tpu.vector_load %arg6[%swap3A_61] {strides = array<i32>} : memref<768xi32, #tpu.memory_space<vmem>>, vector<16xi32>,
    tpu.vector_store %arg6[%swap3A_61], %broadcast_in_dim3A_1 {strides = array<i32>} : memref<768xi32, #tpu.memory_space<vmem>>, vector<16xi32>,
    %swap3A_63 = arith.constant 496 : index
    %swap3A_64 = tpu.vector_load %arg6[%swap3A_63] {strides = array<i32>} : memref<768xi32, #tpu.memory_space<vmem>>, vector<16xi32>,
    tpu.vector_store %arg6[%swap3A_63], %broadcast_in_dim3A_1 {strides = array<i32>} : memref<768xi32, #tpu.memory_space<vmem>>, vector<16xi32>,
    %swap3A_65 = arith.constant 512 : index
    %swap3A_66 = tpu.vector_load %arg6[%swap3A_65] {strides = array<i32>} : memref<768xi32, #tpu.memory_space<vmem>>, vector<16xi32>,
    tpu.vector_store %arg6[%swap3A_65], %broadcast_in_dim3A_1 {strides = array<i32>} : memref<768xi32, #tpu.memory_space<vmem>>, vector<16xi32>,
    %swap3A_67 = arith.constant 528 : index
    %swap3A_68 = tpu.vector_load %arg6[%swap3A_67] {strides = array<i32>} : memref<768xi32, #tpu.memory_space<vmem>>, vector<16xi32>,
    tpu.vector_store %arg6[%swap3A_67], %broadcast_in_dim3A_1 {strides = array<i32>} : memref<768xi32, #tpu.memory_space<vmem>>, vector<16xi32>,
    %swap3A_69 = arith.constant 544 : index
    %swap3A_70 = tpu.vector_load %arg6[%swap3A_69] {strides = array<i32>} : memref<768xi32, #tpu.memory_space<vmem>>, vector<16xi32>,
    tpu.vector_store %arg6[%swap3A_69], %broadcast_in_dim3A_1 {strides = array<i32>} : memref<768xi32, #tpu.memory_space<vmem>>, vector<16xi32>,
    %swap3A_71 = arith.constant 560 : index
    %swap3A_72 = tpu.vector_load %arg6[%swap3A_71] {strides = array<i32>} : memref<768xi32, #tpu.memory_space<vmem>>, vector<16xi32>,
    tpu.vector_store %arg6[%swap3A_71], %broadcast_in_dim3A_1 {strides = array<i32>} : memref<768xi32, #tpu.memory_space<vmem>>, vector<16xi32>,
    %swap3A_73 = arith.constant 576 : index
    %swap3A_74 = tpu.vector_load %arg6[%swap3A_73] {strides = array<i32>} : memref<768xi32, #tpu.memory_space<vmem>>, vector<16xi32>,
    tpu.vector_store %arg6[%swap3A_73], %broadcast_in_dim3A_1 {strides = array<i32>} : memref<768xi32, #tpu.memory_space<vmem>>, vector<16xi32>,
    %swap3A_75 = arith.constant 592 : index
    %swap3A_76 = tpu.vector_load %arg6[%swap3A_75] {strides = array<i32>} : memref<768xi32, #tpu.memory_space<vmem>>, vector<16xi32>,
    tpu.vector_store %arg6[%swap3A_75], %broadcast_in_dim3A_1 {strides = array<i32>} : memref<768xi32, #tpu.memory_space<vmem>>, vector<16xi32>,
    %swap3A_77 = arith.constant 608 : index
    %swap3A_78 = tpu.vector_load %arg6[%swap3A_77] {strides = array<i32>} : memref<768xi32, #tpu.memory_space<vmem>>, vector<16xi32>,
    tpu.vector_store %arg6[%swap3A_77], %broadcast_in_dim3A_1 {strides = array<i32>} : memref<768xi32, #tpu.memory_space<vmem>>, vector<16xi32>,
    %swap3A_79 = arith.constant 624 : index
    %swap3A_80 = tpu.vector_load %arg6[%swap3A_79] {strides = array<i32>} : memref<768xi32, #tpu.memory_space<vmem>>, vector<16xi32>,
    tpu.vector_store %arg6[%swap3A_79], %broadcast_in_dim3A_1 {strides = array<i32>} : memref<768xi32, #tpu.memory_space<vmem>>, vector<16xi32>,
    %swap3A_81 = arith.constant 640 : index
    %swap3A_82 = tpu.vector_load %arg6[%swap3A_81] {strides = array<i32>} : memref<768xi32, #tpu.memory_space<vmem>>, vector<16xi32>,
    tpu.vector_store %arg6[%swap3A_81], %broadcast_in_dim3A_1 {strides = array<i32>} : memref<768xi32, #tpu.memory_space<vmem>>, vector<16xi32>,
    %swap3A_83 = arith.constant 656 : index
    %swap3A_84 = tpu.vector_load %arg6[%swap3A_83] {strides = array<i32>} : memref<768xi32, #tpu.memory_space<vmem>>, vector<16xi32>,
    tpu.vector_store %arg6[%swap3A_83], %broadcast_in_dim3A_1 {strides = array<i32>} : memref<768xi32, #tpu.memory_space<vmem>>, vector<16xi32>,
    %swap3A_85 = arith.constant 672 : index
    %swap3A_86 = tpu.vector_load %arg6[%swap3A_85] {strides = array<i32>} : memref<768xi32, #tpu.memory_space<vmem>>, vector<16xi32>,
    tpu.vector_store %arg6[%swap3A_85], %broadcast_in_dim3A_1 {strides = array<i32>} : memref<768xi32, #tpu.memory_space<vmem>>, vector<16xi32>,
    %swap3A_87 = arith.constant 688 : index
    %swap3A_88 = tpu.vector_load %arg6[%swap3A_87] {strides = array<i32>} : memref<768xi32, #tpu.memory_space<vmem>>, vector<16xi32>,
    tpu.vector_store %arg6[%swap3A_87], %broadcast_in_dim3A_1 {strides = array<i32>} : memref<768xi32, #tpu.memory_space<vmem>>, vector<16xi32>,
    %swap3A_89 = arith.constant 704 : index
    %swap3A_90 = tpu.vector_load %arg6[%swap3A_89] {strides = array<i32>} : memref<768xi32, #tpu.memory_space<vmem>>, vector<16xi32>,
    tpu.vector_store %arg6[%swap3A_89], %broadcast_in_dim3A_1 {strides = array<i32>} : memref<768xi32, #tpu.memory_space<vmem>>, vector<16xi32>,
    %swap3A_91 = arith.constant 720 : index
    %swap3A_92 = tpu.vector_load %arg6[%swap3A_91] {strides = array<i32>} : memref<768xi32, #tpu.memory_space<vmem>>, vector<16xi32>,
    tpu.vector_store %arg6[%swap3A_91], %broadcast_in_dim3A_1 {strides = array<i32>} : memref<768xi32, #tpu.memory_space<vmem>>, vector<16xi32>,
    %swap3A_93 = arith.constant 736 : index
    %swap3A_94 = tpu.vector_load %arg6[%swap3A_93] {strides = array<i32>} : memref<768xi32, #tpu.memory_space<vmem>>, vector<16xi32>,
    tpu.vector_store %arg6[%swap3A_93], %broadcast_in_dim3A_1 {strides = array<i32>} : memref<768xi32, #tpu.memory_space<vmem>>, vector<16xi32>,
    %swap3A_95 = arith.constant 752 : index
    %swap3A_96 = tpu.vector_load %arg6[%swap3A_95] {strides = array<i32>} : memref<768xi32, #tpu.memory_space<vmem>>, vector<16xi32>,
    tpu.vector_store %arg6[%swap3A_95], %broadcast_in_dim3A_1 {strides = array<i32>} : memref<768xi32, #tpu.memory_space<vmem>>, vector<16xi32>,
    %get3A = arith.constant 0 : index
    %get3A_97 = tpu.vector_load %arg5[%get3A] {strides = array<i32>} : memref<256xi32, #tpu.memory_space<vmem>>, vector<16xi32>,
    %iota3A = tpu.iota {dimensions = array<i32: 0>} : vector<16xi32>
    %add3A_98 = arith.constant 0 : i32
    %add3A_99 = vector.broadcast %add3A_98 : i32 to vector<16xi32>
    %add3A_100 = arith.addi %iota3A, %add3A_99 : vector<16xi32>
    %shift_right_arithmetic3A = arith.constant 1 : i32
    %shift_right_arithmetic3A_101 = vector.broadcast %shift_right_arithmetic3A : i32 to vector<16xi32>
    %shift_right_arithmetic3A_102 = arith.shrsi %add3A_100, %shift_right_arithmetic3A_101 : vector<16xi32>
    tpu.vector_store_idx %arg6[%get3A_97], %shift_right_arithmetic3A_102 : memref<768xi32, #tpu.memory_space<vmem>>[vector<16xi32>], vector<16xi32>,
    %get3A_103 = arith.constant 16 : index
    %get3A_104 = tpu.vector_load %arg5[%get3A_103] {strides = array<i32>} : memref<256xi32, #tpu.memory_space<vmem>>, vector<16xi32>,
    %iota3A_105 = tpu.iota {dimensions = array<i32: 0>} : vector<16xi32>
    %add3A_106 = arith.constant 16 : i32
    %add3A_107 = vector.broadcast %add3A_106 : i32 to vector<16xi32>
    %add3A_108 = arith.addi %iota3A_105, %add3A_107 : vector<16xi32>
    %shift_right_arithmetic3A_109 = arith.constant 1 : i32
    %shift_right_arithmetic3A_110 = vector.broadcast %shift_right_arithmetic3A_109 : i32 to vector<16xi32>
    %shift_right_arithmetic3A_111 = arith.shrsi %add3A_108, %shift_right_arithmetic3A_110 : vector<16xi32>
    tpu.vector_store_idx %arg6[%get3A_104], %shift_right_arithmetic3A_111 : memref<768xi32, #tpu.memory_space<vmem>>[vector<16xi32>], vector<16xi32>,
    %get3A_112 = arith.constant 32 : index
    %get3A_113 = tpu.vector_load %arg5[%get3A_112] {strides = array<i32>} : memref<256xi32, #tpu.memory_space<vmem>>, vector<16xi32>,
    %iota3A_114 = tpu.iota {dimensions = array<i32: 0>} : vector<16xi32>
    %add3A_115 = arith.constant 32 : i32
    %add3A_116 = vector.broadcast %add3A_115 : i32 to vector<16xi32>
    %add3A_117 = arith.addi %iota3A_114, %add3A_116 : vector<16xi32>
    %shift_right_arithmetic3A_118 = arith.constant 1 : i32
    %shift_right_arithmetic3A_119 = vector.broadcast %shift_right_arithmetic3A_118 : i32 to vector<16xi32>
    %shift_right_arithmetic3A_120 = arith.shrsi %add3A_117, %shift_right_arithmetic3A_119 : vector<16xi32>
    tpu.vector_store_idx %arg6[%get3A_113], %shift_right_arithmetic3A_120 : memref<768xi32, #tpu.memory_space<vmem>>[vector<16xi32>], vector<16xi32>,
    %get3A_121 = arith.constant 48 : index
    %get3A_122 = tpu.vector_load %arg5[%get3A_121] {strides = array<i32>} : memref<256xi32, #tpu.memory_space<vmem>>, vector<16xi32>,
    %iota3A_123 = tpu.iota {dimensions = array<i32: 0>} : vector<16xi32>
    %add3A_124 = arith.constant 48 : i32
    %add3A_125 = vector.broadcast %add3A_124 : i32 to vector<16xi32>
    %add3A_126 = arith.addi %iota3A_123, %add3A_125 : vector<16xi32>
    %shift_right_arithmetic3A_127 = arith.constant 1 : i32
    %shift_right_arithmetic3A_128 = vector.broadcast %shift_right_arithmetic3A_127 : i32 to vector<16xi32>
    %shift_right_arithmetic3A_129 = arith.shrsi %add3A_126, %shift_right_arithmetic3A_128 : vector<16xi32>
    tpu.vector_store_idx %arg6[%get3A_122], %shift_right_arithmetic3A_129 : memref<768xi32, #tpu.memory_space<vmem>>[vector<16xi32>], vector<16xi32>,
    %get3A_130 = arith.constant 64 : index
    %get3A_131 = tpu.vector_load %arg5[%get3A_130] {strides = array<i32>} : memref<256xi32, #tpu.memory_space<vmem>>, vector<16xi32>,
    %iota3A_132 = tpu.iota {dimensions = array<i32: 0>} : vector<16xi32>
    %add3A_133 = arith.constant 64 : i32
    %add3A_134 = vector.broadcast %add3A_133 : i32 to vector<16xi32>
    %add3A_135 = arith.addi %iota3A_132, %add3A_134 : vector<16xi32>
    %shift_right_arithmetic3A_136 = arith.constant 1 : i32
    %shift_right_arithmetic3A_137 = vector.broadcast %shift_right_arithmetic3A_136 : i32 to vector<16xi32>
    %shift_right_arithmetic3A_138 = arith.shrsi %add3A_135, %shift_right_arithmetic3A_137 : vector<16xi32>
    tpu.vector_store_idx %arg6[%get3A_131], %shift_right_arithmetic3A_138 : memref<768xi32, #tpu.memory_space<vmem>>[vector<16xi32>], vector<16xi32>,
    %get3A_139 = arith.constant 80 : index
    %get3A_140 = tpu.vector_load %arg5[%get3A_139] {strides = array<i32>} : memref<256xi32, #tpu.memory_space<vmem>>, vector<16xi32>,
    %iota3A_141 = tpu.iota {dimensions = array<i32: 0>} : vector<16xi32>
    %add3A_142 = arith.constant 80 : i32
    %add3A_143 = vector.broadcast %add3A_142 : i32 to vector<16xi32>
    %add3A_144 = arith.addi %iota3A_141, %add3A_143 : vector<16xi32>
    %shift_right_arithmetic3A_145 = arith.constant 1 : i32
    %shift_right_arithmetic3A_146 = vector.broadcast %shift_right_arithmetic3A_145 : i32 to vector<16xi32>
    %shift_right_arithmetic3A_147 = arith.shrsi %add3A_144, %shift_right_arithmetic3A_146 : vector<16xi32>
    tpu.vector_store_idx %arg6[%get3A_140], %shift_right_arithmetic3A_147 : memref<768xi32, #tpu.memory_space<vmem>>[vector<16xi32>], vector<16xi32>,
    %get3A_148 = arith.constant 96 : index
    %get3A_149 = tpu.vector_load %arg5[%get3A_148] {strides = array<i32>} : memref<256xi32, #tpu.memory_space<vmem>>, vector<16xi32>,
    %iota3A_150 = tpu.iota {dimensions = array<i32: 0>} : vector<16xi32>
    %add3A_151 = arith.constant 96 : i32
    %add3A_152 = vector.broadcast %add3A_151 : i32 to vector<16xi32>
    %add3A_153 = arith.addi %iota3A_150, %add3A_152 : vector<16xi32>
    %shift_right_arithmetic3A_154 = arith.constant 1 : i32
    %shift_right_arithmetic3A_155 = vector.broadcast %shift_right_arithmetic3A_154 : i32 to vector<16xi32>
    %shift_right_arithmetic3A_156 = arith.shrsi %add3A_153, %shift_right_arithmetic3A_155 : vector<16xi32>
    tpu.vector_store_idx %arg6[%get3A_149], %shift_right_arithmetic3A_156 : memref<768xi32, #tpu.memory_space<vmem>>[vector<16xi32>], vector<16xi32>,
    %get3A_157 = arith.constant 112 : index
    %get3A_158 = tpu.vector_load %arg5[%get3A_157] {strides = array<i32>} : memref<256xi32, #tpu.memory_space<vmem>>, vector<16xi32>,
    %iota3A_159 = tpu.iota {dimensions = array<i32: 0>} : vector<16xi32>
    %add3A_160 = arith.constant 112 : i32
    %add3A_161 = vector.broadcast %add3A_160 : i32 to vector<16xi32>
    %add3A_162 = arith.addi %iota3A_159, %add3A_161 : vector<16xi32>
    %shift_right_arithmetic3A_163 = arith.constant 1 : i32
    %shift_right_arithmetic3A_164 = vector.broadcast %shift_right_arithmetic3A_163 : i32 to vector<16xi32>
    %shift_right_arithmetic3A_165 = arith.shrsi %add3A_162, %shift_right_arithmetic3A_164 : vector<16xi32>
    tpu.vector_store_idx %arg6[%get3A_158], %shift_right_arithmetic3A_165 : memref<768xi32, #tpu.memory_space<vmem>>[vector<16xi32>], vector<16xi32>,
    %get3A_166 = arith.constant 128 : index
    %get3A_167 = tpu.vector_load %arg5[%get3A_166] {strides = array<i32>} : memref<256xi32, #tpu.memory_space<vmem>>, vector<16xi32>,
    %iota3A_168 = tpu.iota {dimensions = array<i32: 0>} : vector<16xi32>
    %add3A_169 = arith.constant 128 : i32
    %add3A_170 = vector.broadcast %add3A_169 : i32 to vector<16xi32>
    %add3A_171 = arith.addi %iota3A_168, %add3A_170 : vector<16xi32>
    %shift_right_arithmetic3A_172 = arith.constant 1 : i32
    %shift_right_arithmetic3A_173 = vector.broadcast %shift_right_arithmetic3A_172 : i32 to vector<16xi32>
    %shift_right_arithmetic3A_174 = arith.shrsi %add3A_171, %shift_right_arithmetic3A_173 : vector<16xi32>
    tpu.vector_store_idx %arg6[%get3A_167], %shift_right_arithmetic3A_174 : memref<768xi32, #tpu.memory_space<vmem>>[vector<16xi32>], vector<16xi32>,
    %get3A_175 = arith.constant 144 : index
    %get3A_176 = tpu.vector_load %arg5[%get3A_175] {strides = array<i32>} : memref<256xi32, #tpu.memory_space<vmem>>, vector<16xi32>,
    %iota3A_177 = tpu.iota {dimensions = array<i32: 0>} : vector<16xi32>
    %add3A_178 = arith.constant 144 : i32
    %add3A_179 = vector.broadcast %add3A_178 : i32 to vector<16xi32>
    %add3A_180 = arith.addi %iota3A_177, %add3A_179 : vector<16xi32>
    %shift_right_arithmetic3A_181 = arith.constant 1 : i32
    %shift_right_arithmetic3A_182 = vector.broadcast %shift_right_arithmetic3A_181 : i32 to vector<16xi32>
    %shift_right_arithmetic3A_183 = arith.shrsi %add3A_180, %shift_right_arithmetic3A_182 : vector<16xi32>
    tpu.vector_store_idx %arg6[%get3A_176], %shift_right_arithmetic3A_183 : memref<768xi32, #tpu.memory_space<vmem>>[vector<16xi32>], vector<16xi32>,
    %get3A_184 = arith.constant 160 : index
    %get3A_185 = tpu.vector_load %arg5[%get3A_184] {strides = array<i32>} : memref<256xi32, #tpu.memory_space<vmem>>, vector<16xi32>,
    %iota3A_186 = tpu.iota {dimensions = array<i32: 0>} : vector<16xi32>
    %add3A_187 = arith.constant 160 : i32
    %add3A_188 = vector.broadcast %add3A_187 : i32 to vector<16xi32>
    %add3A_189 = arith.addi %iota3A_186, %add3A_188 : vector<16xi32>
    %shift_right_arithmetic3A_190 = arith.constant 1 : i32
    %shift_right_arithmetic3A_191 = vector.broadcast %shift_right_arithmetic3A_190 : i32 to vector<16xi32>
    %shift_right_arithmetic3A_192 = arith.shrsi %add3A_189, %shift_right_arithmetic3A_191 : vector<16xi32>
    tpu.vector_store_idx %arg6[%get3A_185], %shift_right_arithmetic3A_192 : memref<768xi32, #tpu.memory_space<vmem>>[vector<16xi32>], vector<16xi32>,
    %get3A_193 = arith.constant 176 : index
    %get3A_194 = tpu.vector_load %arg5[%get3A_193] {strides = array<i32>} : memref<256xi32, #tpu.memory_space<vmem>>, vector<16xi32>,
    %iota3A_195 = tpu.iota {dimensions = array<i32: 0>} : vector<16xi32>
    %add3A_196 = arith.constant 176 : i32
    %add3A_197 = vector.broadcast %add3A_196 : i32 to vector<16xi32>
    %add3A_198 = arith.addi %iota3A_195, %add3A_197 : vector<16xi32>
    %shift_right_arithmetic3A_199 = arith.constant 1 : i32
    %shift_right_arithmetic3A_200 = vector.broadcast %shift_right_arithmetic3A_199 : i32 to vector<16xi32>
    %shift_right_arithmetic3A_201 = arith.shrsi %add3A_198, %shift_right_arithmetic3A_200 : vector<16xi32>
    tpu.vector_store_idx %arg6[%get3A_194], %shift_right_arithmetic3A_201 : memref<768xi32, #tpu.memory_space<vmem>>[vector<16xi32>], vector<16xi32>,
    %get3A_202 = arith.constant 192 : index
    %get3A_203 = tpu.vector_load %arg5[%get3A_202] {strides = array<i32>} : memref<256xi32, #tpu.memory_space<vmem>>, vector<16xi32>,
    %iota3A_204 = tpu.iota {dimensions = array<i32: 0>} : vector<16xi32>
    %add3A_205 = arith.constant 192 : i32
    %add3A_206 = vector.broadcast %add3A_205 : i32 to vector<16xi32>
    %add3A_207 = arith.addi %iota3A_204, %add3A_206 : vector<16xi32>
    %shift_right_arithmetic3A_208 = arith.constant 1 : i32
    %shift_right_arithmetic3A_209 = vector.broadcast %shift_right_arithmetic3A_208 : i32 to vector<16xi32>
    %shift_right_arithmetic3A_210 = arith.shrsi %add3A_207, %shift_right_arithmetic3A_209 : vector<16xi32>
    tpu.vector_store_idx %arg6[%get3A_203], %shift_right_arithmetic3A_210 : memref<768xi32, #tpu.memory_space<vmem>>[vector<16xi32>], vector<16xi32>,
    %get3A_211 = arith.constant 208 : index
    %get3A_212 = tpu.vector_load %arg5[%get3A_211] {strides = array<i32>} : memref<256xi32, #tpu.memory_space<vmem>>, vector<16xi32>,
    %iota3A_213 = tpu.iota {dimensions = array<i32: 0>} : vector<16xi32>
    %add3A_214 = arith.constant 208 : i32
    %add3A_215 = vector.broadcast %add3A_214 : i32 to vector<16xi32>
    %add3A_216 = arith.addi %iota3A_213, %add3A_215 : vector<16xi32>
    %shift_right_arithmetic3A_217 = arith.constant 1 : i32
    %shift_right_arithmetic3A_218 = vector.broadcast %shift_right_arithmetic3A_217 : i32 to vector<16xi32>
    %shift_right_arithmetic3A_219 = arith.shrsi %add3A_216, %shift_right_arithmetic3A_218 : vector<16xi32>
    tpu.vector_store_idx %arg6[%get3A_212], %shift_right_arithmetic3A_219 : memref<768xi32, #tpu.memory_space<vmem>>[vector<16xi32>], vector<16xi32>,
    %get3A_220 = arith.constant 224 : index
    %get3A_221 = tpu.vector_load %arg5[%get3A_220] {strides = array<i32>} : memref<256xi32, #tpu.memory_space<vmem>>, vector<16xi32>,
    %iota3A_222 = tpu.iota {dimensions = array<i32: 0>} : vector<16xi32>
    %add3A_223 = arith.constant 224 : i32
    %add3A_224 = vector.broadcast %add3A_223 : i32 to vector<16xi32>
    %add3A_225 = arith.addi %iota3A_222, %add3A_224 : vector<16xi32>
    %shift_right_arithmetic3A_226 = arith.constant 1 : i32
    %shift_right_arithmetic3A_227 = vector.broadcast %shift_right_arithmetic3A_226 : i32 to vector<16xi32>
    %shift_right_arithmetic3A_228 = arith.shrsi %add3A_225, %shift_right_arithmetic3A_227 : vector<16xi32>
    tpu.vector_store_idx %arg6[%get3A_221], %shift_right_arithmetic3A_228 : memref<768xi32, #tpu.memory_space<vmem>>[vector<16xi32>], vector<16xi32>,
    %get3A_229 = arith.constant 240 : index
    %get3A_230 = tpu.vector_load %arg5[%get3A_229] {strides = array<i32>} : memref<256xi32, #tpu.memory_space<vmem>>, vector<16xi32>,
    %iota3A_231 = tpu.iota {dimensions = array<i32: 0>} : vector<16xi32>
    %add3A_232 = arith.constant 240 : i32
    %add3A_233 = vector.broadcast %add3A_232 : i32 to vector<16xi32>
    %add3A_234 = arith.addi %iota3A_231, %add3A_233 : vector<16xi32>
    %shift_right_arithmetic3A_235 = arith.constant 1 : i32
    %shift_right_arithmetic3A_236 = vector.broadcast %shift_right_arithmetic3A_235 : i32 to vector<16xi32>
    %shift_right_arithmetic3A_237 = arith.shrsi %add3A_234, %shift_right_arithmetic3A_236 : vector<16xi32>
    tpu.vector_store_idx %arg6[%get3A_230], %shift_right_arithmetic3A_237 : memref<768xi32, #tpu.memory_space<vmem>>[vector<16xi32>], vector<16xi32>,
    %mul3A_238 = arith.constant 24 : i32
    %mul3A_239 = arith.muli %add3A, %mul3A_238 : i32
    %dma_start3A = tpu.memref_slice %arg6[%mul3A_239] : memref<768xi32, #tpu.memory_space<vmem>> -> memref<24xi32, #tpu.memory_space<vmem>>
    %dma_start3A_240 = arith.constant 0 : i32
    %dma_start3A_241 = arith.constant 0 : i32
    %dma_start3A_242 = tpu.memref_slice %arg2[%dma_start3A_240, %dma_start3A_241] : memref<128x1024xf32, #tpu.memory_space<hbm>> -> memref<128x1024xf32, #tpu.memory_space<hbm>>
    tpu.enqueue_indirect_dma source(%dma_start3A_242 : memref<128x1024xf32, #tpu.memory_space<hbm>>) target(%arg7 : memref<24x1024xf32, #tpu.memory_space<vmem>>) offsets(%dma_start3A : memref<24xi32, #tpu.memory_space<vmem>>) semaphore(%arg8 : memref<!tpu.dma_semaphore, #tpu.memory_space<semaphore_mem>>)
    %dma_wait3A = tpu.memref_slice %arg6[%mul3A_239] : memref<768xi32, #tpu.memory_space<vmem>> -> memref<24xi32, #tpu.memory_space<vmem>>
    %dma_wait3A_243 = arith.constant 0 : i32
    %dma_wait3A_244 = arith.constant 0 : i32
    %dma_wait3A_245 = tpu.memref_slice %arg2[%dma_wait3A_243, %dma_wait3A_244] : memref<128x1024xf32, #tpu.memory_space<hbm>> -> memref<128x1024xf32, #tpu.memory_space<hbm>>
    tpu.wait_indirect_dma semaphore(%arg8 : memref<!tpu.dma_semaphore, #tpu.memory_space<semaphore_mem>>) src(%dma_wait3A_245 : memref<128x1024xf32, #tpu.memory_space<hbm>>) dst(%arg7 : memref<24x1024xf32, #tpu.memory_space<vmem>>)
    "tpu.region"() ({
      %run_scoped3A = tpu.sem_alloc : memref<!tpu.dma_semaphore, #tpu.memory_space<semaphore_mem>>
      %dma_start3A_246 = arith.constant 0 : i32
      %dma_start3A_247 = tpu.memref_slice %arg4[%mul3A_239, %dma_start3A_246] : memref<768x1024xf32, #tpu.memory_space<hbm>> -> memref<24x1024xf32, #tpu.memory_space<hbm>>
      %dma_start3A_248 = arith.constant 0 : i32
      %dma_start3A_249 = tpu.memref_slice %arg4[%mul3A_239, %dma_start3A_248] : memref<768x1024xf32, #tpu.memory_space<hbm>> -> memref<24x1024xf32, #tpu.memory_space<hbm>>
      tpu.enqueue_dma source(%arg7 : memref<24x1024xf32, #tpu.memory_space<vmem>>) target(%dma_start3A_249 : memref<24x1024xf32, #tpu.memory_space<hbm>>) target_semaphore(%run_scoped3A : memref<!tpu.dma_semaphore, #tpu.memory_space<semaphore_mem>>)
      %dma_wait3A_250 = arith.constant 0 : i32
      %dma_wait3A_251 = tpu.memref_slice %arg4[%mul3A_239, %dma_wait3A_250] : memref<768x1024xf32, #tpu.memory_space<hbm>> -> memref<24x1024xf32, #tpu.memory_space<hbm>>
      %dma_wait3A_252 = arith.constant 0 : i32
      %dma_wait3A_253 = tpu.memref_slice %arg4[%mul3A_239, %dma_wait3A_252] : memref<768x1024xf32, #tpu.memory_space<hbm>> -> memref<24x1024xf32, #tpu.memory_space<hbm>>
      tpu.wait_dma2 semaphore(%run_scoped3A : memref<!tpu.dma_semaphore, #tpu.memory_space<semaphore_mem>>) src(%arg7 : memref<24x1024xf32, #tpu.memory_space<vmem>>) dst(%dma_wait3A_253 : memref<24x1024xf32, #tpu.memory_space<hbm>>)
      tpu.yield
    }) : () -> ()
    return
  }
}

module attributes {stable_mosaic.version = 14 : i64} {
  func.func @_gating_body(%arg0: memref<128x1024xf32, #tpu.memory_space<vmem>>, %arg1: memref<1024x16xf32, #tpu.memory_space<vmem>>, %arg2: memref<1x16xf32, #tpu.memory_space<vmem>>, %arg3: memref<128x16xf32, #tpu.memory_space<vmem>>, %arg4: memref<128x2xi32, #tpu.memory_space<vmem>>, %arg5: memref<1x16xf32, #tpu.memory_space<vmem>>, %arg6: memref<1x16xf32, #tpu.memory_space<vmem>>, %arg7: memref<128x2xf32, #tpu.memory_space<vmem>>, %arg8: memref<128x2xi32, #tpu.memory_space<vmem>>, %arg9: memref<1x16xi32, #tpu.memory_space<vmem>>, %arg10: memref<1x16xi32, #tpu.memory_space<vmem>>) attributes {dimension_semantics = [], scalar_prefetch = 0 : i64, scratch_operands = 0 : i64, tpu.core_type = #tpu.core_type<tc>} {
    %get3A = arith.constant 0 : index
    %get3A_0 = arith.constant 0 : index
    %get3A_1 = vector.load %arg0[%get3A, %get3A_0] : memref<128x1024xf32, #tpu.memory_space<vmem>>, vector<128x1024xf32>
    %get3A_2 = arith.constant 0 : index
    %get3A_3 = arith.constant 0 : index
    %get3A_4 = vector.load %arg1[%get3A_2, %get3A_3] : memref<1024x16xf32, #tpu.memory_space<vmem>>, vector<1024x16xf32>
    %dot_general3A = arith.constant dense<0.000000e+00> : vector<128x16xf32>
    %dot_general3A_5 = tpu.matmul %get3A_1, %get3A_4, %dot_general3A {dimension_numbers = #tpu.dot_dimension_numbers<[1], [0], [0], [1], [0, 0, 1, 1], [], []>, transpose_lhs_hint = false} : vector<128x1024xf32>, vector<1024x16xf32>, vector<128x16xf32> -> vector<128x16xf32>
    %get3A_6 = arith.constant 0 : index
    %get3A_7 = arith.constant 0 : index
    %get3A_8 = vector.load %arg2[%get3A_6, %get3A_7] : memref<1x16xf32, #tpu.memory_space<vmem>>, vector<1x16xf32>
    %add3A = vector.broadcast %get3A_8 : vector<1x16xf32> to vector<128x16xf32>
    %add3A_9 = arith.addf %dot_general3A_5, %add3A : vector<128x16xf32>
    %iota3A = tpu.iota {dimensions = array<i32: 1>} : vector<128x16xi32>
    %reduce_max3A = arith.constant dense<0xFF800000> : vector<128xf32>
    %reduce_max3A_10 = vector.multi_reduction <maximumf>, %add3A_9, %reduce_max3A [1] : vector<128x16xf32> to vector<128xf32>
    %broadcast_in_dim3A = vector.shape_cast %reduce_max3A_10 : vector<128xf32> to vector<128x1xf32>
    %eq3A = vector.broadcast %broadcast_in_dim3A : vector<128x1xf32> to vector<128x16xf32>
    %eq3A_11 = arith.cmpf oeq, %add3A_9, %eq3A : vector<128x16xf32>
    %jit3A = arith.constant 16 : i32
    %broadcast_in_dim3A_12 = vector.broadcast %jit3A : i32 to vector<128x16xi32>
    %select_n3A = arith.select %eq3A_11, %iota3A, %broadcast_in_dim3A_12 : vector<128x16xi1>, vector<128x16xi32>
    %reduce_min3A = arith.constant dense<2147483647> : vector<128xi32>
    %reduce_min3A_13 = vector.multi_reduction <minsi>, %select_n3A, %reduce_min3A [1] : vector<128x16xi32> to vector<128xi32>
    %broadcast_in_dim3A_14 = vector.shape_cast %reduce_min3A_13 : vector<128xi32> to vector<128x1xi32>
    %eq3A_15 = vector.broadcast %broadcast_in_dim3A_14 : vector<128x1xi32> to vector<128x16xi32>
    %eq3A_16 = arith.cmpi eq, %iota3A, %eq3A_15 : vector<128x16xi32>
    %jit3A_17 = arith.constant 0xFF800000 : f32
    %broadcast_in_dim3A_18 = vector.broadcast %jit3A_17 : f32 to vector<128x16xf32>
    %select_n3A_19 = arith.select %eq3A_16, %broadcast_in_dim3A_18, %add3A_9 : vector<128x16xi1>, vector<128x16xf32>
    %reduce_max3A_20 = arith.constant dense<0xFF800000> : vector<128xf32>
    %reduce_max3A_21 = vector.multi_reduction <maximumf>, %select_n3A_19, %reduce_max3A_20 [1] : vector<128x16xf32> to vector<128xf32>
    %broadcast_in_dim3A_22 = vector.shape_cast %reduce_max3A_21 : vector<128xf32> to vector<128x1xf32>
    %eq3A_23 = vector.broadcast %broadcast_in_dim3A_22 : vector<128x1xf32> to vector<128x16xf32>
    %eq3A_24 = arith.cmpf oeq, %select_n3A_19, %eq3A_23 : vector<128x16xf32>
    %jit3A_25 = arith.constant 16 : i32
    %broadcast_in_dim3A_26 = vector.broadcast %jit3A_25 : i32 to vector<128x16xi32>
    %select_n3A_27 = arith.select %eq3A_24, %iota3A, %broadcast_in_dim3A_26 : vector<128x16xi1>, vector<128x16xi32>
    %reduce_min3A_28 = arith.constant dense<2147483647> : vector<128xi32>
    %reduce_min3A_29 = vector.multi_reduction <minsi>, %select_n3A_27, %reduce_min3A_28 [1] : vector<128x16xi32> to vector<128xi32>
    %broadcast_in_dim3A_30 = vector.shape_cast %reduce_min3A_29 : vector<128xi32> to vector<128x1xi32>
    %eq3A_31 = vector.broadcast %broadcast_in_dim3A_30 : vector<128x1xi32> to vector<128x16xi32>
    %eq3A_32 = arith.cmpi eq, %iota3A, %eq3A_31 : vector<128x16xi32>
    %sub3A = arith.subf %broadcast_in_dim3A_22, %broadcast_in_dim3A : vector<128x1xf32>
    %exp3A = math.exp %sub3A : vector<128x1xf32>
    %add3A_33 = arith.constant 1.000000e+00 : f32
    %add3A_34 = vector.broadcast %add3A_33 : f32 to vector<128x1xf32>
    %add3A_35 = arith.addf %add3A_34, %exp3A : vector<128x1xf32>
    %div3A = arith.constant 1.000000e+00 : f32
    %div3A_36 = vector.broadcast %div3A : f32 to vector<128x1xf32>
    %div3A_37 = arith.divf %div3A_36, %add3A_35 : vector<128x1xf32>
    %add3A_38 = arith.constant 1.000000e+00 : f32
    %add3A_39 = vector.broadcast %add3A_38 : f32 to vector<128x1xf32>
    %add3A_40 = arith.addf %add3A_39, %exp3A : vector<128x1xf32>
    %div3A_41 = arith.divf %exp3A, %add3A_40 : vector<128x1xf32>
    %convert_element_type3A = arith.extui %eq3A_16 : vector<128x16xi1> to vector<128x16xi32>
    %convert_element_type3A_42 = arith.sitofp %convert_element_type3A : vector<128x16xi32> to vector<128x16xf32>
    %convert_element_type3A_43 = arith.extui %eq3A_32 : vector<128x16xi1> to vector<128x16xi32>
    %convert_element_type3A_44 = arith.sitofp %convert_element_type3A_43 : vector<128x16xi32> to vector<128x16xf32>
    %mul3A = vector.broadcast %div3A_37 : vector<128x1xf32> to vector<128x16xf32>
    %mul3A_45 = arith.mulf %convert_element_type3A_42, %mul3A : vector<128x16xf32>
    %mul3A_46 = vector.broadcast %div3A_41 : vector<128x1xf32> to vector<128x16xf32>
    %mul3A_47 = arith.mulf %convert_element_type3A_44, %mul3A_46 : vector<128x16xf32>
    %add3A_48 = arith.addf %mul3A_45, %mul3A_47 : vector<128x16xf32>
    %swap3A = arith.constant 0 : index
    %swap3A_49 = arith.constant 0 : index
    %swap3A_50 = vector.load %arg3[%swap3A, %swap3A_49] : memref<128x16xf32, #tpu.memory_space<vmem>>, vector<128x16xf32>
    tpu.vector_store %arg3[%swap3A, %swap3A_49], %add3A_48 {strides = array<i32>} : memref<128x16xf32, #tpu.memory_space<vmem>>, vector<128x16xf32>,
    %concatenate3A = tpu.concatenate %broadcast_in_dim3A_14, %broadcast_in_dim3A_30 in 1 : vector<128x1xi32>, vector<128x1xi32> -> vector<128x2xi32>
    %swap3A_51 = arith.constant 0 : index
    %swap3A_52 = arith.constant 0 : index
    %swap3A_53 = vector.load %arg4[%swap3A_51, %swap3A_52] : memref<128x2xi32, #tpu.memory_space<vmem>>, vector<128x2xi32>
    tpu.vector_store %arg4[%swap3A_51, %swap3A_52], %concatenate3A {strides = array<i32>} : memref<128x2xi32, #tpu.memory_space<vmem>>, vector<128x2xi32>,
    %concatenate3A_54 = tpu.concatenate %div3A_37, %div3A_41 in 1 : vector<128x1xf32>, vector<128x1xf32> -> vector<128x2xf32>
    %swap3A_55 = arith.constant 0 : index
    %swap3A_56 = arith.constant 0 : index
    %swap3A_57 = vector.load %arg7[%swap3A_55, %swap3A_56] : memref<128x2xf32, #tpu.memory_space<vmem>>, vector<128x2xf32>
    tpu.vector_store %arg7[%swap3A_55, %swap3A_56], %concatenate3A_54 {strides = array<i32>} : memref<128x2xf32, #tpu.memory_space<vmem>>, vector<128x2xf32>,
    %reduce_sum3A = arith.constant dense<0.000000e+00> : vector<16xf32>
    %reduce_sum3A_58 = vector.multi_reduction <add>, %add3A_48, %reduce_sum3A [0] : vector<128x16xf32> to vector<16xf32>
    %broadcast_in_dim3A_59 = vector.shape_cast %reduce_sum3A_58 : vector<16xf32> to vector<1x16xf32>
    %mul3A_60 = arith.constant 7.812500e-03 : f32
    %mul3A_61 = vector.broadcast %mul3A_60 : f32 to vector<1x16xf32>
    %mul3A_62 = arith.mulf %broadcast_in_dim3A_59, %mul3A_61 : vector<1x16xf32>
    %swap3A_63 = arith.constant 0 : index
    %swap3A_64 = arith.constant 0 : index
    %swap3A_65 = vector.load %arg5[%swap3A_63, %swap3A_64] : memref<1x16xf32, #tpu.memory_space<vmem>>, vector<1x16xf32>
    tpu.vector_store %arg5[%swap3A_63, %swap3A_64], %mul3A_62 {strides = array<i32>} : memref<1x16xf32, #tpu.memory_space<vmem>>, vector<1x16xf32>,
    %swap3A_66 = arith.constant 0 : index
    %swap3A_67 = arith.constant 0 : index
    %swap3A_68 = vector.load %arg6[%swap3A_66, %swap3A_67] : memref<1x16xf32, #tpu.memory_space<vmem>>, vector<1x16xf32>
    tpu.vector_store %arg6[%swap3A_66, %swap3A_67], %broadcast_in_dim3A_59 {strides = array<i32>} : memref<1x16xf32, #tpu.memory_space<vmem>>, vector<1x16xf32>,
    %add3A_69 = arith.addf %convert_element_type3A_42, %convert_element_type3A_44 : vector<128x16xf32>
    %reduce_sum3A_70 = arith.constant dense<0.000000e+00> : vector<16xf32>
    %reduce_sum3A_71 = vector.multi_reduction <add>, %add3A_69, %reduce_sum3A_70 [0] : vector<128x16xf32> to vector<16xf32>
    %broadcast_in_dim3A_72 = vector.shape_cast %reduce_sum3A_71 : vector<16xf32> to vector<1x16xf32>
    %convert_element_type3A_73 = arith.fptosi %broadcast_in_dim3A_72 : vector<1x16xf32> to vector<1x16xi32>
    %add3A_74 = arith.constant 31 : i32
    %add3A_75 = vector.broadcast %add3A_74 : i32 to vector<1x16xi32>
    %add3A_76 = arith.addi %convert_element_type3A_73, %add3A_75 : vector<1x16xi32>
    %shift_right_arithmetic3A = arith.constant 5 : i32
    %shift_right_arithmetic3A_77 = vector.broadcast %shift_right_arithmetic3A : i32 to vector<1x16xi32>
    %shift_right_arithmetic3A_78 = arith.shrsi %add3A_76, %shift_right_arithmetic3A_77 : vector<1x16xi32>
    %swap3A_79 = arith.constant 0 : index
    %swap3A_80 = arith.constant 0 : index
    %swap3A_81 = vector.load %arg10[%swap3A_79, %swap3A_80] : memref<1x16xi32, #tpu.memory_space<vmem>>, vector<1x16xi32>
    tpu.vector_store %arg10[%swap3A_79, %swap3A_80], %shift_right_arithmetic3A_78 {strides = array<i32>} : memref<1x16xi32, #tpu.memory_space<vmem>>, vector<1x16xi32>,
    %shift_left3A = arith.constant 5 : i32
    %shift_left3A_82 = vector.broadcast %shift_left3A : i32 to vector<1x16xi32>
    %shift_left3A_83 = arith.shli %shift_right_arithmetic3A_78, %shift_left3A_82 : vector<1x16xi32>
    %convert_element_type3A_84 = arith.sitofp %shift_left3A_83 : vector<1x16xi32> to vector<1x16xf32>
    %iota3A_85 = tpu.iota {dimensions = array<i32: 0>} : vector<16x16xi32>
    %iota3A_86 = tpu.iota {dimensions = array<i32: 1>} : vector<16x16xi32>
    %lt3A = arith.cmpi slt, %iota3A_85, %iota3A_86 : vector<16x16xi32>
    %convert_element_type3A_87 = arith.extui %lt3A : vector<16x16xi1> to vector<16x16xi32>
    %convert_element_type3A_88 = arith.sitofp %convert_element_type3A_87 : vector<16x16xi32> to vector<16x16xf32>
    %dot_general3A_89 = arith.constant dense<0.000000e+00> : vector<1x16xf32>
    %dot_general3A_90 = tpu.matmul %convert_element_type3A_84, %convert_element_type3A_88, %dot_general3A_89 {dimension_numbers = #tpu.dot_dimension_numbers<[1], [0], [0], [1], [0, 0, 1, 1], [], []>, transpose_lhs_hint = false} : vector<1x16xf32>, vector<16x16xf32>, vector<1x16xf32> -> vector<1x16xf32>
    %convert_element_type3A_91 = arith.fptosi %dot_general3A_90 : vector<1x16xf32> to vector<1x16xi32>
    %swap3A_92 = arith.constant 0 : index
    %swap3A_93 = arith.constant 0 : index
    %swap3A_94 = vector.load %arg9[%swap3A_92, %swap3A_93] : memref<1x16xi32, #tpu.memory_space<vmem>>, vector<1x16xi32>
    tpu.vector_store %arg9[%swap3A_92, %swap3A_93], %convert_element_type3A_91 {strides = array<i32>} : memref<1x16xi32, #tpu.memory_space<vmem>>, vector<1x16xi32>,
    %iota3A_95 = tpu.iota {dimensions = array<i32: 0>} : vector<128x128xi32>
    %iota3A_96 = tpu.iota {dimensions = array<i32: 1>} : vector<128x128xi32>
    %lt3A_97 = arith.cmpi slt, %iota3A_96, %iota3A_95 : vector<128x128xi32>
    %convert_element_type3A_98 = arith.extui %lt3A_97 : vector<128x128xi1> to vector<128x128xi32>
    %convert_element_type3A_99 = arith.sitofp %convert_element_type3A_98 : vector<128x128xi32> to vector<128x128xf32>
    %dot_general3A_100 = arith.constant dense<0.000000e+00> : vector<128x16xf32>
    %dot_general3A_101 = tpu.matmul %convert_element_type3A_99, %add3A_69, %dot_general3A_100 {dimension_numbers = #tpu.dot_dimension_numbers<[1], [0], [0], [1], [0, 0, 1, 1], [], []>, transpose_lhs_hint = false} : vector<128x128xf32>, vector<128x16xf32>, vector<128x16xf32> -> vector<128x16xf32>
    %add3A_102 = vector.broadcast %dot_general3A_90 : vector<1x16xf32> to vector<128x16xf32>
    %add3A_103 = arith.addf %dot_general3A_101, %add3A_102 : vector<128x16xf32>
    %mul3A_104 = arith.mulf %add3A_103, %convert_element_type3A_42 : vector<128x16xf32>
    %reduce_sum3A_105 = arith.constant dense<0.000000e+00> : vector<128xf32>
    %reduce_sum3A_106 = vector.multi_reduction <add>, %mul3A_104, %reduce_sum3A_105 [1] : vector<128x16xf32> to vector<128xf32>
    %broadcast_in_dim3A_107 = vector.shape_cast %reduce_sum3A_106 : vector<128xf32> to vector<128x1xf32>
    %add3A_108 = arith.addf %add3A_103, %convert_element_type3A_42 : vector<128x16xf32>
    %mul3A_109 = arith.mulf %add3A_108, %convert_element_type3A_44 : vector<128x16xf32>
    %reduce_sum3A_110 = arith.constant dense<0.000000e+00> : vector<128xf32>
    %reduce_sum3A_111 = vector.multi_reduction <add>, %mul3A_109, %reduce_sum3A_110 [1] : vector<128x16xf32> to vector<128xf32>
    %broadcast_in_dim3A_112 = vector.shape_cast %reduce_sum3A_111 : vector<128xf32> to vector<128x1xf32>
    %concatenate3A_113 = tpu.concatenate %broadcast_in_dim3A_107, %broadcast_in_dim3A_112 in 1 : vector<128x1xf32>, vector<128x1xf32> -> vector<128x2xf32>
    %convert_element_type3A_114 = arith.fptosi %concatenate3A_113 : vector<128x2xf32> to vector<128x2xi32>
    %swap3A_115 = arith.constant 0 : index
    %swap3A_116 = arith.constant 0 : index
    %swap3A_117 = vector.load %arg8[%swap3A_115, %swap3A_116] : memref<128x2xi32, #tpu.memory_space<vmem>>, vector<128x2xi32>
    tpu.vector_store %arg8[%swap3A_115, %swap3A_116], %convert_element_type3A_114 {strides = array<i32>} : memref<128x2xi32, #tpu.memory_space<vmem>>, vector<128x2xi32>,
    return
  }
}

</mosaic_0001>

<sc_bundles>
// kernel: kernel.4.cloned.1.call-start
scs
__scs_entry_jumppad:
0x0: {  	(pc) =	sbr.rel $0x88, $3  }
0x1: {  	(tag) =	ssettag $0x0;
	lr =	simm.s32 $0x1  }
0x2: {  	[smem:$0x3F9E] =	sst lr;
	_ =	strace $0xD0000000  }
0x3: {  	_ = 	snop  }
0x4: {  	_ = 	snop  }
0x5: {  	_ = 	snop  }
0x6: {  	_ = 	snop  }
0x7: {  	_ = 	snop  }
__scs_overlays_trampoline_lowered:
0x8: {  	[smem:$0x3FAD] =	sst s0  }
0x9: {  	[smem:$0x3FAE] =	sst s1  }
0xa: {  	[smem:$0x3FAF] =	sst s2  }
0xb: {  	[smem:$0x3FB0] =	sst s3  }
0xc: {  	[smem:$0x3FB1] =	sst s4  }
0xd: {  	[smem:$0x3FB2] =	sst s5  }
0xe: {  	[smem:$0x3FB3] =	sst s6  }
0xf: {  	[smem:$0x3FB4] =	sst s7  }
0x10: {  	[smem:$0x3FB5] =	sst s8  }
0x11: {  	[smem:$0x3FB6] =	sst s9;
	s0 =	simm.s32 @!p0 $0x0  }
0x12: {  	s1 =	sld [smem:$0x3F9C];
	s0 =	simm.s32 @p0 $0x1  }
0x13: {  	[smem:$0x3FB7] =	sst s0;
	s0 =	simm.s32 @!p1 $0x0  }
0x14: {  	s2 =	sld [smem:$0x3F9B];
	s0 =	simm.s32 @p1 $0x1  }
0x15: {  	[smem:$0x3FB8] =	sst s0;
	s0 =	simm.s32 @!p2 $0x0  }
0x16: {  	s3 =	sld [smem:$0x3FDB];
	s0 =	simm.s32 @p2 $0x1  }
0x17: {  	s4 =	simm.s32 $0x1BF5;
	[smem:$0x3FBA] =	sst s0  }
0x18: {  	s0 =	sld [smem:$0x3F9D];
	_ =	swait.ge [sflag:s4], $0x0  }
0x19: {  	s7 =	sld [smem:$0x3F9E]  }
0x1a: {  	s8 =	sadd.s32 $0xFFFFE003, lr  }
0x1b: {  	s9 =	sadd.s32 $0xFFFFFEF7, lr;
	s5 =	simm.s32 $0xFFFFFFFF;
	p2 =	slt.u32 s8, $0xFFFFF086  }
0x1c: {  	p1 =	slt.u32 s9, $0xF7A;
	s5 =	simm.s32 @!p2 $0x0  }
0x1d: {  	s5 =	simm.s32 @p1 $0x1;
	p0 =	seq.s32 s7, s2  }
0x1e: {  	s7 =	smul.u32 @!p0 $0xF7A, s2;
	p2 =	seq.s32 @!p0 s5, $0x0  }
0x1f: {  	s9 =	smul.u32 $0xF7A, s1;
	s8 =	simm.s32 @!p0 $0x1BF5;
	p2 =	por !p2, p0  }
0x20: {  	[sflag:s8] =	ssyncset.s32 @!p0 $0xFFFFF086;
	s6 =	sadd.s32 @!p0 s3, s7;
	s7 =	simm.s32 @!p0 $0x108  }
0x21: {  	s3 =	sadd.s32 s3, s9;
	s6 =	sadd.s32 @!p0 $0x88, s6;
	s7 =	simm.s32 @p2 $0x1082  }
0x22: {  	[simem:s7], [sflag:s8] =	dma.local @!p0 [hbm:s6], $0xF7A  }
0x23: {  	s9 =	sor.u32 $0xD0000000, s2;
	s6 =	simm.s32 $0x108;
	_ =	swait.ge @!p0 [sflag:s8], $0x0  }
0x24: {  	s3 =	sadd.s32 $0x88, s3;
	s6 =	simm.s32 @!p1 $0x1082;
	[sflag:s4] =	ssyncset.s32 $0xFFFFF086  }
0x25: {  	[simem:s6], [sflag:s4] =	dma.local [hbm:s3], $0xF7A  }
0x26: {  	[smem:$0x3F9E] =	sst s1;
	(tag) =	ssettag s2;
	_ =	strace s9  }
0x27: {  	s1 =	sld [smem:$0x3FAE]  }
0x28: {  	s2 =	sld [smem:$0x3FAF]  }
0x29: {  	s4 =	sld [smem:$0x3FB1]  }
0x2a: {  	p0 =	seq.s32 s5, $0x0;
	s5 =	sld [smem:$0x3FB2]  }
0x2b: {  	s6 =	sld [smem:$0x3FB3]  }
0x2c: {  	s7 =	sld [smem:$0x3FB4]  }
0x2d: {  	s3 =	simm.s32 $0x108;
	s8 =	sld [smem:$0x3FB5]  }
0x2e: {  	s3 =	simm.s32 @!p0 $0x1082;
	s9 =	sld [smem:$0x3FB6]  }
0x2f: {  	lr =	sadd.s32 s0, s3;
	s0 =	sld [smem:$0x3FAD]  }
0x30: {  	s3 =	sld [smem:$0x3FB0]  }
0x31: {  	[smem:$0x3FB9] =	sst s10  }
0x32: {  	s10 =	sld [smem:$0x3FB7];
	_ =	sdelay $0x3  }
0x33: {  	p0 =	seq.s32 s10, $0x1;
	s10 =	sld [smem:$0x3FB9];
	_ =	sdelay $0x3  }
0x34: {  	[smem:$0x3FB9] =	sst s10  }
0x35: {  	s10 =	sld [smem:$0x3FB8];
	_ =	sdelay $0x3  }
0x36: {  	p1 =	seq.s32 s10, $0x1;
	s10 =	sld [smem:$0x3FB9];
	_ =	sdelay $0x3  }
0x37: {  	[smem:$0x3FB9] =	sst s10  }
0x38: {  	s10 =	sld [smem:$0x3FBA]  }
0x39: {  	_ = 	snop;
	(pc) =	sbr.ind lr, $3  }
0x3a: {  	_ = 	snop  }
0x3b: {  	_ = 	snop  }
0x3c: {  	p2 =	seq.s32 s10, $0x1;
	s10 =	sld [smem:$0x3FB9]  }
0x3d: {  	_ =	shalt  }
0x3e: {  	_ =	shalt  }
0x3f: {  	_ =	shalt  }
0x40: {  	_ =	shalt  }
0x41: {  	_ =	shalt  }
0x42: {  	_ =	shalt  }
0x43: {  	_ =	shalt  }
0x44: {  	_ =	shalt  }
0x45: {  	_ =	shalt  }
0x46: {  	_ =	shalt  }
0x47: {  	_ =	shalt  }
0x48: {  	_ =	shalt  }
0x49: {  	_ =	shalt  }
0x4a: {  	_ =	shalt  }
0x4b: {  	_ =	shalt  }
0x4c: {  	_ =	shalt  }
0x4d: {  	_ =	shalt  }
0x4e: {  	_ =	shalt  }
0x4f: {  	_ =	shalt  }
0x50: {  	_ =	shalt  }
0x51: {  	_ =	shalt  }
0x52: {  	_ =	shalt  }
0x53: {  	_ =	shalt  }
0x54: {  	_ =	shalt  }
0x55: {  	_ =	shalt  }
0x56: {  	_ =	shalt  }
0x57: {  	_ =	shalt  }
0x58: {  	_ =	shalt  }
0x59: {  	_ =	shalt  }
0x5a: {  	_ =	shalt  }
0x5b: {  	_ =	shalt  }
0x5c: {  	_ =	shalt  }
0x5d: {  	_ =	shalt  }
0x5e: {  	_ =	shalt  }
0x5f: {  	_ =	shalt  }
0x60: {  	_ =	shalt  }
0x61: {  	_ =	shalt  }
0x62: {  	_ =	shalt  }
0x63: {  	_ =	shalt  }
0x64: {  	_ =	shalt  }
0x65: {  	_ =	shalt  }
0x66: {  	_ =	shalt  }
0x67: {  	_ =	shalt  }
0x68: {  	_ =	shalt  }
0x69: {  	_ =	shalt  }
0x6a: {  	_ =	shalt  }
0x6b: {  	_ =	shalt  }
0x6c: {  	_ =	shalt  }
0x6d: {  	_ =	shalt  }
0x6e: {  	_ =	shalt  }
0x6f: {  	_ =	shalt  }
0x70: {  	_ =	shalt  }
0x71: {  	_ =	shalt  }
0x72: {  	_ =	shalt  }
0x73: {  	_ =	shalt  }
0x74: {  	_ =	shalt  }
0x75: {  	_ =	shalt  }
0x76: {  	_ =	shalt  }
0x77: {  	_ =	shalt  }
0x78: {  	_ =	shalt  }
0x79: {  	_ =	shalt  }
0x7a: {  	_ =	shalt  }
0x7b: {  	_ =	shalt  }
0x7c: {  	_ =	shalt  }
0x7d: {  	_ =	shalt  }
0x7e: {  	_ =	shalt  }
0x7f: {  	_ =	shalt  }
0x80: {  	_ =	shalt  }
0x81: {  	_ =	shalt  }
0x82: {  	_ =	shalt  }
0x83: {  	_ =	shalt  }
0x84: {  	_ =	shalt  }
0x85: {  	_ =	shalt  }
0x86: {  	_ =	shalt  }
0x87: {  	_ =	shalt  }
.Lfunc_end0:
.L_simem_size_0:
called_computation_lowered:
.L_overlay_start_0:
0x88: {  	s2 =	sld [smem:$0x3FD9]  }
0x89: {  	s3 =	sld [smem:$0x3FFE];
	_ =	sdelay $0x1  }
0x8a: {  	s1 =	srdreg.scid  }
0x8b: {  	s0 =	sand.u32 $0x1, s1  }
0x8c: {  	s14 =	sshll.u32 s0, $0xA;
	s2 =	sadd.s32 s3, s2  }
0x8d: {  	s2 =	sadd.s32 s2, s14  }
0x8e: {  	[smem:$0x3FC5] =	sst s2  }
0x8f: {  	_ = 	snop  }
0x90: {  	s2 =	sld [smem:$0x3FD0];
	_ =	sdelay $0x2  }
0x91: {  	s4 =	simm.s32 $0xA;
	s5 =	simm.s32 $0x10;
	s15 =	sld [smem:$0x3FC9]  }
0x92: {  	[smem:s5], [sflag:s4] =	dma.local [hbm:s2], $0x1  }
0x93: {  	_ =	swait.eq [sflag:s4], $0x1  }
0x94: {  	[sflag:s4] =	ssyncset.done $0x0  }
0x95: {  	[sflag:s4] =	ssyncadd.s32 $0xFFFFFFFF  }
0x96: {  	s16 =	sld [smem:$0x10];
	(tm) =	ssettm $0x1  }
0x97: {  	s17 =	sld [smem:$0x3FFB];
	_ =	sdelay $0x3  }
0x98: {  	_ =	strace s17  }
0x99: {  	s4 =	sld [smem:$0x3FFC];
	_ =	sdelay $0x3  }
0x9a: {  	_ =	strace s4  }
0x9b: {  	s4 =	sld [smem:$0x3FFD];
	_ =	sdelay $0x3  }
0x9c: {  	_ =	strace s4  }
0x9d: {  	_ =	strace $0x8FFFFFFF  }
0x9e: {  	s18 =	sld [smem:$0x3FDB];
	_ =	sdelay $0x1  }
0x9f: {  	s19 =	simm.s32 $_scs_section_size  }
0xa0: {  	s6 =	simm.s32 $_size__tile_overlayer_lowered;
	s7 =	simm.s32 $_tile_overlayer_lowered  }
0xa1: {  	s22 =	simm.s32 $0x1BFF;
	s21 =	sshll.u32 s7, $0x1;
	s4 =	sadd.s32 s19, s18  }
0xa2: {  	s8 =	simm.s32 $0x0;
	s20 =	sshll.u32 s6, $0x1;
	s6 =	sadd.s32 s21, s4  }
0xa3: {  	[timem:s8], [sflag:s22] =	dma.local [hbm:s6], s20  }
0xa4: {  	_ =	swait.ge [sflag:s22], s20  }
0xa5: {  	s5 =	ssub.s32 $0x0, s20;
	[sflag:s22] =	ssyncset.done $0x0  }
0xa6: {  	[sflag:s22] =	ssyncadd.s32 s5;
	_ =	sdelay $0x1  }
0xa7: {  	s23 =	simm.s32 $0x1B8B  }
0xa8: {  	_ =	swait.ge [sflag:s23], $0x1  }
0xa9: {  	[sflag:s23] =	ssyncset.done $0x0  }
0xaa: {  	s25 =	simm.s32 $0x1B8E;
	s24 =	sld [smem:$0x3FFE];
	[sflag:s23] =	ssyncadd.s32 $0xFFFFFFFF  }
0xab: {  	s26 =	simm.s32 $execute0_lowered;
	[smem:$0x3FD2] =	sst s25  }
0xac: {  	s6 =	sshll.u32 s26, $0x1;
	_ =	strace $0x80000046;
	[dreg:$0x1] =	wrdreg $0xFFFFFFFF  }
0xad: {  	s28 =	simm.s32 $_size_execute0_lowered;
	s4 =	sadd.s32 s4, s6;
	[dreg:$0x0] =	wrdreg $0x0  }
0xae: {  	s6 =	sshll.u32 s28, $0x1;
	[dreg:$0x2] =	wrdreg s4  }
0xaf: {  	[dreg:$0x3] =	wrdreg s6  }
0xb0: {  	[dreg:$0x4] =	wrdreg $0xC0  }
0xb1: {  	_ =	task [dreg:s8], $0x5FFFF  }
0xb2: {  	[dreg:$0x1] =	wrdreg $0xFFFFFFFF  }
0xb3: {  	[dreg:$0x0] =	wrdreg $0x60  }
0xb4: {  	[dreg:$0x2] =	wrdreg s15  }
0xb5: {  	[dreg:$0x3] =	wrdreg s16  }
0xb6: {  	[dreg:$0x4] =	wrdreg s24  }
0xb7: {  	[dreg:$0x5] =	wrdreg $0x9  }
0xb8: {  	_ =	task.clear_ibuf [dreg:s8], $0x6FFFF;
	_ =	strace $0x90000046  }
0xb9: {  	s29 =	simm.s32 $0x9;
	_ =	strace $0x80000048  }
0xba: {  	_ =	swait.ge [sflag:s29], $0x1  }
0xbb: {  	[sflag:s29] =	ssyncadd.s32 $0xFFFFFFFF  }
0xbc: {  	_ =	strace $0x90000048  }
0xbd: {  	_ =	sfence  }
0xbe: {  	s30 =	sld [smem:$0x0];
	_ =	sdelay $0x2  }
0xbf: {  	s31 =	sshll.u32 s1, $0xD;
	s1 =	sshrl.u32 s1, $0x2  }
0xc0: {  	s3 =	sand.u32 $0x4000, s31;
	s1 =	sadd.s32 s1, s30  }
0xc1: {  	s0 =	sor.u32 s3, s0;
	s1 =	sshll.u32 s1, $0x11  }
0xc2: {  	s0 =	sor.u32 s1, s0  }
0xc3: {  	s0 =	sadd.s32 $0x8F2B, s0  }
0xc4: {  	[sflag:s0] =	ssyncadd.remote.s32 $0x1  }
0xc5: {  	_ =	sfence.sel $0xFFFF  }
0xc6: {  	[dreg:$0x0] =	wrdreg $0xFFFFFFFF;
	(pc) =	sbr.abs _section_cstart, $3  }
0xc7: {  	[dreg:$0x1] =	wrdreg $0xFFFFFFFF  }
0xc8: {  	_ =	task.clear_ibuf [dreg:s8], $0x2FFFF;
	_ =	strace $0x9FFFFFFF  }
0xc9: {  	(tm) =	ssettm $0x7FFFFFFF  }
tec
execute0_lowered:
.L_overlay_start_1:
0x0: {  	(tag) =	ssettag $0x1  }
0x1: {  	s1 =	rddreg [dreg:$0x0]  }
0x2: {  	s3 =	rddreg [dreg:$0x1];
	s2 =	srdreg.scid  }
0x3: {  	s0 =	stileid.u32;
	s5 =	rddreg [dreg:$0x2];
	s12 =	simm.s32 $0x100  }
0x4: {  	s13 =	simm.s32 $0x400;
	s14 =	simm.s32 $0xC00;
	s15 =	simm.s32 $0x1400  }
0x5: {  	s16 =	simm.s32 $0x1C00;
	s17 =	simm.s32 $0x2400;
	s18 =	simm.s32 $0x2C00  }
0x6: {  	s19 =	simm.s32 $0x3400;
	s20 =	simm.s32 $0x3C00;
	s21 =	simm.s32 $0x4400  }
0x7: {  	v19 =	vlaneseq.u32;
	v1 =	vimm.s32 $0x0;
	s22 =	simm.s32 $0x4C00;
	s23 =	simm.s32 $0x5400;
	s24 =	simm.s32 $0x5C00  }
0x8: {  	vm0 =	vmmov $0xffff;
	s25 =	simm.s32 $0x1;
	s6 =	sand.u32 $0x1, s2;
	s4 =	sshll.u32 s0, $0x1;
	v0 =	vshrl.u32 v19, $0x1;
	v18 =	vshrl.u32 v19, $0x3  }
0x9: {  	s2 =	rddreg [dreg:$0x3];
	v17 =	vand.u32 $0x7, v19;
	v19 =	vor.u32 $0x8, v19;
	s7 =	sor.u32 s6, s4;
	s4 =	simm.s32 $0x0;
	v2 =	vor.u32 $0x8, v0  }
0xa: {  	s6 =	ssub.s32 $0x2, s6;
	v3 =	vor.u32 $0x10, v0;
	v4 =	vor.u32 $0x18, v0;
	v5 =	vor.u32 $0x20, v0;
	s8 =	smul.u32 $0xC00, s7;
	[smem:$0x7FF] =	sst s4  }
0xb: {  	v6 =	vor.u32 $0x28, v0;
	v7 =	vor.u32 $0x30, v0;
	v8 =	vor.u32 $0x38, v0;
	s9 =	sshrl.u32 s6, $0x1;
	s7 =	smul.u32 $0x60, s7;
	_ =	strace $0x80000047  }
0xc: {  	v9 =	vor.u32 $0x40, v0;
	v10 =	vor.u32 $0x48, v0;
	v11 =	vor.u32 $0x50, v0;
	s11 =	ssub.s32 s6, s9;
	s6 =	sadd.s32 $0x100, s1;
	s10 =	sadd.s32 s8, s5  }
0xd: {  	v12 =	vor.u32 $0x58, v0;
	v13 =	vor.u32 $0x60, v0;
	v14 =	vor.u32 $0x68, v0;
	s5 =	sshrl.u32 s7, $0x2;
	s7 =	sadd.s32 $0x200, s1;
	s8 =	sadd.s32 $0x300, s1  }
0xe: {  	v15 =	vor.u32 $0x70, v0;
	v16 =	vor.u32 $0x78, v0;
	v18 =	vmul.u32 $0x8, v18;
	s9 =	sadd.s32 $0xA00, s10;
	s10 =	smax.u32 s11, $0x1;
	s11 =	simm.s32 $0x2  }
.LBB2_1:
0xf: {  	[tilespmem:s4], [sflag:$0x2] =	stream.linear.gather [hbm4b:s3+s4], $0x100, $0x38;
	[tilespmem:$0x6400] =	vst v63  }
0x10: {  	_ =	swait.ge [sflag:s11], $0x100  }
0x11: {  	[sflag:s11] =	ssyncset.done $0x0  }
0x12: {  	[sflag:s11] =	ssyncadd.s32 $0xFFFFFF00  }
0x13: {  	[tilespmem:$0x100] =	vst v1  }
0x14: {  	[tilespmem:$0x110] =	vst v1  }
0x15: {  	[tilespmem:$0x120] =	vst v1  }
0x16: {  	[tilespmem:$0x130] =	vst v1  }
0x17: {  	[tilespmem:$0x140] =	vst v1  }
0x18: {  	[tilespmem:$0x150] =	vst v1  }
0x19: {  	[tilespmem:$0x160] =	vst v1  }
0x1a: {  	[tilespmem:$0x170] =	vst v1  }
0x1b: {  	[tilespmem:$0x180] =	vst v1  }
0x1c: {  	[tilespmem:$0x190] =	vst v1  }
0x1d: {  	[tilespmem:$0x1A0] =	vst v1  }
0x1e: {  	[tilespmem:$0x1B0] =	vst v1  }
0x1f: {  	[tilespmem:$0x1C0] =	vst v1  }
0x20: {  	[tilespmem:$0x1D0] =	vst v1  }
0x21: {  	[tilespmem:$0x1E0] =	vst v1  }
0x22: {  	[tilespmem:$0x1F0] =	vst v1  }
0x23: {  	[tilespmem:$0x200] =	vst v1  }
0x24: {  	[tilespmem:$0x210] =	vst v1  }
0x25: {  	[tilespmem:$0x220] =	vst v1  }
0x26: {  	[tilespmem:$0x230] =	vst v1  }
0x27: {  	[tilespmem:$0x240] =	vst v1  }
0x28: {  	[tilespmem:$0x250] =	vst v1  }
0x29: {  	[tilespmem:$0x260] =	vst v1  }
0x2a: {  	[tilespmem:$0x270] =	vst v1  }
0x2b: {  	[tilespmem:$0x280] =	vst v1  }
0x2c: {  	[tilespmem:$0x290] =	vst v1  }
0x2d: {  	[tilespmem:$0x2A0] =	vst v1  }
0x2e: {  	[tilespmem:$0x2B0] =	vst v1  }
0x2f: {  	[tilespmem:$0x2C0] =	vst v1  }
0x30: {  	[tilespmem:$0x2D0] =	vst v1  }
0x31: {  	[tilespmem:$0x2E0] =	vst v1  }
0x32: {  	[tilespmem:$0x2F0] =	vst v1  }
0x33: {  	[tilespmem:$0x300] =	vst v1  }
0x34: {  	[tilespmem:$0x310] =	vst v1  }
0x35: {  	[tilespmem:$0x320] =	vst v1  }
0x36: {  	[tilespmem:$0x330] =	vst v1  }
0x37: {  	[tilespmem:$0x340] =	vst v1  }
0x38: {  	[tilespmem:$0x350] =	vst v1  }
0x39: {  	[tilespmem:$0x360] =	vst v1  }
0x3a: {  	[tilespmem:$0x370] =	vst v1  }
0x3b: {  	[tilespmem:$0x380] =	vst v1;
	v20 =	vld [tilespmem:$0x0]  }
0x3c: {  	[tilespmem:$0x390] =	vst v1  }
0x3d: {  	[tilespmem:$0x3A0] =	vst v1  }
0x3e: {  	[tilespmem:$0x3B0] =	vst v1  }
0x3f: {  	[tilespmem:$0x3C0] =	vst v1  }
0x40: {  	[tilespmem:$0x3D0] =	vst v1  }
0x41: {  	[tilespmem:$0x3E0] =	vst v1  }
0x42: {  	[tilespmem:$0x3F0] =	vst v1  }
0x43: {  	[tilespmem:v20+s12+$0x0] =	vst.idx.msk $0xffff, v0  }
0x44: {  	v20 =	vld [tilespmem:$0x10];
	_ =	sdelay $0x7  }
0x45: {  	[tilespmem:v20+s12+$0x0] =	vst.idx.msk $0xffff, v2  }
0x46: {  	v20 =	vld [tilespmem:$0x20];
	_ =	sdelay $0x7  }
0x47: {  	[tilespmem:v20+s12+$0x0] =	vst.idx.msk $0xffff, v3  }
0x48: {  	v20 =	vld [tilespmem:$0x30];
	_ =	sdelay $0x7  }
0x49: {  	[tilespmem:v20+s12+$0x0] =	vst.idx.msk $0xffff, v4  }
0x4a: {  	v20 =	vld [tilespmem:$0x40];
	_ =	sdelay $0x7  }
0x4b: {  	[tilespmem:v20+s12+$0x0] =	vst.idx.msk $0xffff, v5  }
0x4c: {  	v20 =	vld [tilespmem:$0x50];
	_ =	sdelay $0x7  }
0x4d: {  	[tilespmem:v20+s12+$0x0] =	vst.idx.msk $0xffff, v6  }
0x4e: {  	v20 =	vld [tilespmem:$0x60];
	_ =	sdelay $0x7  }
0x4f: {  	[tilespmem:v20+s12+$0x0] =	vst.idx.msk $0xffff, v7  }
0x50: {  	v20 =	vld [tilespmem:$0x70];
	_ =	sdelay $0x7  }
0x51: {  	[tilespmem:v20+s12+$0x0] =	vst.idx.msk $0xffff, v8  }
0x52: {  	v20 =	vld [tilespmem:$0x80];
	_ =	sdelay $0x7  }
0x53: {  	[tilespmem:v20+s12+$0x0] =	vst.idx.msk $0xffff, v9  }
0x54: {  	v20 =	vld [tilespmem:$0x90];
	_ =	sdelay $0x7  }
0x55: {  	[tilespmem:v20+s12+$0x0] =	vst.idx.msk $0xffff, v10  }
0x56: {  	v20 =	vld [tilespmem:$0xA0];
	_ =	sdelay $0x7  }
0x57: {  	[tilespmem:v20+s12+$0x0] =	vst.idx.msk $0xffff, v11  }
0x58: {  	v20 =	vld [tilespmem:$0xB0];
	_ =	sdelay $0x7  }
0x59: {  	[tilespmem:v20+s12+$0x0] =	vst.idx.msk $0xffff, v12  }
0x5a: {  	v20 =	vld [tilespmem:$0xC0];
	_ =	sdelay $0x7  }
0x5b: {  	[tilespmem:v20+s12+$0x0] =	vst.idx.msk $0xffff, v13  }
0x5c: {  	v20 =	vld [tilespmem:$0xD0];
	_ =	sdelay $0x7  }
0x5d: {  	[tilespmem:v20+s12+$0x0] =	vst.idx.msk $0xffff, v14  }
0x5e: {  	v20 =	vld [tilespmem:$0xE0];
	_ =	sdelay $0x7  }
0x5f: {  	[tilespmem:v20+s12+$0x0] =	vst.idx.msk $0xffff, v15  }
0x60: {  	v20 =	vld [tilespmem:$0xF0];
	_ =	sdelay $0x7  }
0x61: {  	[tilespmem:v20+s12+$0x0] =	vst.idx.msk $0xffff, v16  }
0x62: {  	v20 =	vld [tilespmem:s5+$0x100];
	_ =	sdelay $0x4  }
0x63: {  	v21 =	vshll.u32 v20, $0x3  }
0x64: {  	v20 =	vand.u32 $0x7, v20;
	v21 =	vand.u32 $0xFFFFFFC0, v21  }
0x65: {  	v20 =	vor.u32 v20, v21  }
0x66: {  	v21 =	vperm.xlane v20, v17;
	_ =	sdelay $0x1  }
0x67: {  	v21 =	vadd.s32 v18, v21;
	_ =	sdelay $0x4  }
0x68: {  	[tilespmem:s13], [sflag:$0x1] =	stream.indirect_vreg.gather [hbm4b:s1+s4], $0x80, v21, vm0, $0xb8;
	[tilespmem:$0x6400] =	vst v63  }
0x69: {  	v20 =	vperm.xlane v20, v19  }
0x6a: {  	[tilespmem:s14], [sflag:$0x1] =	stream.indirect_vreg.gather [hbm4b:s6+s4], $0x80, v21, vm0, $0xb8;
	[tilespmem:$0x6400] =	vst v63  }
0x6b: {  	v20 =	vadd.s32 v18, v20  }
0x6c: {  	[tilespmem:s15], [sflag:$0x1] =	stream.indirect_vreg.gather [hbm4b:s7+s4], $0x80, v21, vm0, $0xb8;
	[tilespmem:$0x6400] =	vst v63  }
0x6d: {  	_ = 	snop  }
0x6e: {  	[tilespmem:s16], [sflag:$0x1] =	stream.indirect_vreg.gather [hbm4b:s8+s4], $0x80, v21, vm0, $0xb8;
	[tilespmem:$0x6400] =	vst v63  }
0x6f: {  	_ = 	snop  }
0x70: {  	[tilespmem:s17], [sflag:$0x1] =	stream.indirect_vreg.gather [hbm4b:s1+s4], $0x80, v20, vm0, $0xb8;
	[tilespmem:$0x6400] =	vst v63  }
0x71: {  	_ = 	snop  }
0x72: {  	[tilespmem:s18], [sflag:$0x1] =	stream.indirect_vreg.gather [hbm4b:s6+s4], $0x80, v20, vm0, $0xb8;
	[tilespmem:$0x6400] =	vst v63  }
0x73: {  	_ = 	snop  }
0x74: {  	[tilespmem:s19], [sflag:$0x1] =	stream.indirect_vreg.gather [hbm4b:s7+s4], $0x80, v20, vm0, $0xb8;
	[tilespmem:$0x6400] =	vst v63  }
0x75: {  	_ = 	snop  }
0x76: {  	[tilespmem:s20], [sflag:$0x1] =	stream.indirect_vreg.gather [hbm4b:s8+s4], $0x80, v20, vm0, $0xb8;
	[tilespmem:$0x6400] =	vst v63  }
0x77: {  	v20 =	vld.msk [tilespmem:s5+$0x110], $0xff;
	_ =	sdelay $0x4  }
0x78: {  	v63 =	vshll.u32 v20, $0x3  }
0x79: {  	v20 =	vand.u32 $0x7, v20;
	v21 =	vand.u32 $0xFFFFFFC0, v63  }
0x7a: {  	v20 =	vor.u32 v20, v21  }
0x7b: {  	v20 =	vperm.xlane v20, v17;
	_ =	sdelay $0x1  }
0x7c: {  	v20 =	vadd.s32 v18, v20;
	_ =	sdelay $0x4  }
0x7d: {  	[tilespmem:s21], [sflag:$0x1] =	stream.indirect_vreg.gather [hbm4b:s1+s4], $0x80, v20, vm0, $0xb8;
	[tilespmem:$0x6400] =	vst v63  }
0x7e: {  	_ = 	snop  }
0x7f: {  	[tilespmem:s22], [sflag:$0x1] =	stream.indirect_vreg.gather [hbm4b:s6+s4], $0x80, v20, vm0, $0xb8;
	[tilespmem:$0x6400] =	vst v63  }
0x80: {  	_ = 	snop  }
0x81: {  	[tilespmem:s23], [sflag:$0x1] =	stream.indirect_vreg.gather [hbm4b:s7+s4], $0x80, v20, vm0, $0xb8;
	[tilespmem:$0x6400] =	vst v63  }
0x82: {  	_ = 	snop  }
0x83: {  	[tilespmem:s24], [sflag:$0x1] =	stream.indirect_vreg.gather [hbm4b:s8+s4], $0x80, v20, vm0, $0xb8;
	[tilespmem:$0x6400] =	vst v63  }
0x84: {  	_ =	swait.ge [sflag:s25], $0x6000  }
0x85: {  	p0 =	sne.s32 s10, $0x1;
	[sflag:s25] =	ssyncset.done $0x0  }
.Ltmp0:
0x86: {  	[sflag:s25] =	ssyncadd.s32 $0xFFFFA000;
	(pc) =	sbr.rel @p0 .LBB2_1-.Ltmp0, $4  }
0x87: {  	[hbm4b:s9+s4] =	stream.linear.scatter [tilespmem:s13], [sflag:$0x2], $0x6000, $0x38;
	[tilespmem:$0x6400] =	vst v63  }
0x88: {  	_ =	swait.ge [sflag:s11], $0x6000  }
0x89: {  	[sflag:s11] =	ssyncset.done $0x0  }
0x8a: {  	s10 =	sadd.s32 $0xFFFFFFFF, s10;
	[sflag:s11] =	ssyncadd.s32 $0xFFFFA000  }
0x8b: {  	_ =	sfence.sel $0x180000  }
0x8c: {  	[bflag:$0x0] =	sbarrier.arrive $0xFFFF  }
0x8d: {  	p0 =	sne.s32 s0, $0x0;
	_ =	strace $0x90000047  }
0x8e: {  	s0 =	sadd.s32 @!p0 $0x100000, s2;
	[bflag:$0x2] =	sbarrier.arrive $0xFFFF  }
0x8f: {  	[sflag:s0] =	ssyncadd.tile.s32 @!p0 $0x1;
	_ =	shalt  }
.Lfunc_end2:
_tile_overlayer_lowered:
.L_overlay_start_2:
0x90: {  	(tag) =	ssettag $0x2  }
0x91: {  	s0 =	rddreg [dreg:$0x0];
	s2 =	stileid.u32  }
0x92: {  	s1 =	rddreg [dreg:$0x1];
	p0 =	sne.s32 s2, $0x0  }
0x93: {  	s3 =	rddreg [dreg:$0x2];
	[bflag:$0x3] =	sbarrier.arrive $0xFFFF;
	s2 =	simm.s32 @!p0 $0x1C02  }
0x94: {  	[timem:s3], [sflag:s2] =	dma.local @!p0 [hbm:s0], s1  }
0x95: {  	s0 =	simm.s32 @!p0 $0x2  }
0x96: {  	_ =	swait.ge @!p0 [sflag:s0], s1  }
0x97: {  	s1 =	ssub.s32 @!p0 $0x0, s1;
	[sflag:s0] =	ssyncset.done @!p0 $0x0  }
0x98: {  	[sflag:s0] =	ssyncadd.s32 @!p0 s1  }
0x99: {  	[bflag:$0x3] =	sbarrier.arrive $0xFFFF  }
0x9a: {  	_ =	shalt  }

</sc_bundles>
